<compile_context>
chip_gen: v7x
topology: tpu7x:2x2x1
jax: 0.10.2.dev20260603
libtpu: 0.0.44.dev20260713+nightly
codegen_flags: <defaults>
</compile_context>

<pallas_src>
import functools

import numpy as np
import jax
import jax.numpy as jnp
from jax import lax
from jax.experimental import pallas as pl
from jax.experimental.pallas import tpu as pltpu
from jax.experimental.pallas import tpu_sc as plsc

N = 10000
C = 128
E = 320000
NC = 2
NS = 16
NW = NC * NS
NP = 10240
ROWS_PER_TILE = NP // NS
CW = 128
CH = 80
NPASS = 2
CPP = CH // NPASS
BR2 = 2000
EPT = CH * CW
EP = NW * EPT
DEGW = 16
BR = 640

_mesh = plsc.VectorSubcoreMesh(core_axis_name="c", subcore_axis_name="s")


@functools.partial(
    pl.kernel,
    out_type=jax.ShapeDtypeStruct((NC, NP, DEGW), jnp.float32),
    mesh=_mesh,
    scratch_types=[
        pltpu.VMEM((CH, CW), jnp.int32),
        pltpu.VMEM((CW, DEGW), jnp.float32),
        pltpu.VMEM((CW, DEGW), jnp.float32),
        pltpu.VMEM_SHARED((NP, DEGW), jnp.float32),
    ],
)
def _deg_kernel(ei_hbm, deg_out, dst_v, ones_a, zbuf, deg_sh):
    c = lax.axis_index("c")
    s = lax.axis_index("s")
    pltpu.sync_copy(ei_hbm.at[1, c, s], dst_v)

    def fill(i, carry):
        ones_a[i, :] = jnp.ones((DEGW,), jnp.float32)
        zbuf[i, :] = jnp.zeros((DEGW,), jnp.float32)
        return carry

    lax.fori_loop(0, CW, fill, 0)
    base = s * ROWS_PER_TILE
    for k in range(ROWS_PER_TILE // CW):
        pltpu.sync_copy(zbuf, deg_sh.at[pl.ds(base + k * CW, CW)])
    plsc.subcore_barrier()

    def body(j, carry):
        pltpu.sync_copy(ones_a, deg_sh.at[dst_v.at[j]], add=True)
        return carry

    lax.fori_loop(0, CH, body, 0)
    plsc.subcore_barrier()
    pltpu.sync_copy(deg_sh.at[pl.ds(base, ROWS_PER_TILE)],
                    deg_out.at[c, pl.ds(base, ROWS_PER_TILE)])


@functools.partial(
    pl.kernel,
    out_type=jax.ShapeDtypeStruct((NC, NP, C), jnp.float32),
    mesh=_mesh,
    scratch_types=[
        pltpu.VMEM((CPP, CW), jnp.int32),
        pltpu.VMEM((CPP, CW), jnp.int32),
        pltpu.VMEM((CW, C), jnp.float32),
        pltpu.VMEM((CW, C), jnp.float32),
        pltpu.VMEM_SHARED((NP, C), jnp.float32),
        pltpu.SemaphoreType.DMA,
        pltpu.SemaphoreType.DMA,
        pltpu.SemaphoreType.DMA,
        pltpu.SemaphoreType.DMA,
    ],
)
def _agg_kernel(ei_hbm, hp_hbm, acc_out,
                src_v, dst_v, buf0, buf1, acc_sh, g0, g1, s0, s1):
    c = lax.axis_index("c")
    s = lax.axis_index("s")

    def zf(i, carry):
        for k in range(C // 16):
            buf1[i, pl.ds(k * 16, 16)] = jnp.zeros((16,), jnp.float32)
        return carry

    pltpu.sync_copy(ei_hbm.at[0, c, s, pl.ds(0, CPP)], src_v)
    pltpu.sync_copy(ei_hbm.at[1, c, s, pl.ds(0, CPP)], dst_v)
    pltpu.async_copy(hp_hbm.at[src_v.at[0]], buf0, g0)

    lax.fori_loop(0, CW, zf, 0)
    base = s * ROWS_PER_TILE
    for k in range(ROWS_PER_TILE // CW):
        pltpu.sync_copy(buf1, acc_sh.at[pl.ds(base + k * CW, CW)])
    plsc.subcore_barrier()

    bufs = (buf0, buf1)
    gsems = (g0, g1)
    ssems = (s0, s1)

    def body(jj, carry):
        for bi in range(2):
            j = 2 * jj + bi
            buf, gs, ss = bufs[bi], gsems[bi], ssems[bi]
            pltpu.make_async_copy(hp_hbm.at[src_v.at[j]], buf, gs).wait()
            pltpu.async_copy(buf, acc_sh.at[dst_v.at[j]], ss, add=True).wait()
            jn = jnp.minimum(j + 2, CPP - 1)
            pltpu.async_copy(hp_hbm.at[src_v.at[jn]], buf, gs)
        return carry

    for p in range(NPASS):
        if p > 0:
            pltpu.sync_copy(ei_hbm.at[0, c, s, pl.ds(p * CPP, CPP)], src_v)
            pltpu.sync_copy(ei_hbm.at[1, c, s, pl.ds(p * CPP, CPP)], dst_v)
            pltpu.async_copy(hp_hbm.at[src_v.at[0]], buf0, g0)
        pltpu.async_copy(hp_hbm.at[src_v.at[1]], buf1, g1)
        lax.fori_loop(0, CPP // 2, body, 0)
        pltpu.make_async_copy(hp_hbm.at[src_v.at[CPP - 1]], buf0, g0).wait()
        pltpu.make_async_copy(hp_hbm.at[src_v.at[CPP - 1]], buf1, g1).wait()
    plsc.subcore_barrier()
    pltpu.sync_copy(acc_sh.at[pl.ds(base, ROWS_PER_TILE)],
                    acc_out.at[c, pl.ds(base, ROWS_PER_TILE)])


def _matmul_body(x_ref, w_ref, h_ref):
    h_ref[...] = jnp.dot(x_ref[...], w_ref[...],
                         preferred_element_type=jnp.float32)


_matmul = pl.pallas_call(
    _matmul_body,
    grid=(N // BR2,),
    in_specs=[
        pl.BlockSpec((BR2, C), lambda i: (i, 0)),
        pl.BlockSpec((C, C), lambda i: (0, 0)),
    ],
    out_specs=pl.BlockSpec((BR2, C), lambda i: (i, 0)),
    out_shape=jax.ShapeDtypeStruct((NP, C), jnp.float32),
)


def _scale_body(h_ref, deg_ref, hp_ref, dis_ref):
    dtot = deg_ref[0] + deg_ref[1] + 1.0
    dis = lax.rsqrt(dtot)[:, 0:1]
    hp_ref[...] = h_ref[...] * dis
    dis_ref[...] = dis


_scale = pl.pallas_call(
    _scale_body,
    grid=(NP // 2048,),
    in_specs=[
        pl.BlockSpec((2048, C), lambda i: (i, 0)),
        pl.BlockSpec((NC, 2048, DEGW), lambda i: (0, i, 0)),
    ],
    out_specs=[
        pl.BlockSpec((2048, C), lambda i: (i, 0)),
        pl.BlockSpec((2048, 1), lambda i: (i, 0)),
    ],
    out_shape=[
        jax.ShapeDtypeStruct((NP, C), jnp.float32),
        jax.ShapeDtypeStruct((NP, 1), jnp.float32),
    ],
)


def _finish_body(a_ref, hp_ref, dis_ref, b_ref, pw_ref, o_ref):
    t = (a_ref[0] + a_ref[1] + hp_ref[...]) * dis_ref[...] + b_ref[...]
    o_ref[...] = jnp.where(t >= 0.0, t, pw_ref[...] * t)


_finish = pl.pallas_call(
    _finish_body,
    grid=(N // BR2,),
    in_specs=[
        pl.BlockSpec((NC, BR2, C), lambda i: (0, i, 0)),
        pl.BlockSpec((BR2, C), lambda i: (i, 0)),
        pl.BlockSpec((BR2, 1), lambda i: (i, 0)),
        pl.BlockSpec((1, C), lambda i: (0, 0)),
        pl.BlockSpec((1, C), lambda i: (0, 0)),
    ],
    out_specs=pl.BlockSpec((BR2, C), lambda i: (i, 0)),
    out_shape=jax.ShapeDtypeStruct((N, C), jnp.float32),
)


_PAD2D = (np.arange(EP - E, dtype=np.int32) % (NP - N) + N).reshape(-1, CW)


def kernel(x, edge_index, W, b, prelu_w):
    ei = edge_index.astype(jnp.int32).reshape(2, E // CW, CW)
    pad3 = jnp.broadcast_to(_PAD2D, (2,) + _PAD2D.shape)
    eip = jnp.concatenate([ei, pad3], axis=1).reshape(2, NC, NS, CH, CW)

    deg = _deg_kernel(eip)
    h = _matmul(x, W)
    hp, dis = _scale(h, deg)
    acc = _agg_kernel(eip, hp)
    return _finish(acc, hp, dis, b.reshape(1, C), prelu_w.reshape(1, C))

# --- scband reference (transcript-rebuilt; emitter-appended) ---
"""Pipeline reference for scband-encoder-78314433675266 (READ-ONLY COPY).

The authoritative reference and input builder live on the scoring server;
editing this copy changes nothing except your own understanding.
"""

import jax, jax.numpy as jnp
import numpy as np

N_NODES = 10000
N_EDGES = 320000
IN_CH = 128
HID_CH = 128


def setup_inputs(seed: int = 0) -> dict:
    key = jax.random.key(seed)
    k1, k2, k3, k4 = jax.random.split(key, 4)
    x = jax.random.normal(k1, (N_NODES, IN_CH), dtype=jnp.float32)
    edge_index = jax.random.randint(k2, (2, N_EDGES), 0, N_NODES, dtype=jnp.int64)
    # GCNConv linear weight (glorot-ish init), stored as [in, out] for x @ W
    limit = float(np.sqrt(6.0 / (IN_CH + HID_CH)))
    W = jax.random.uniform(k3, (IN_CH, HID_CH), dtype=jnp.float32, minval=-limit, maxval=limit)
    b = jnp.zeros((HID_CH,), dtype=jnp.float32)
    # PReLU per-channel weight, torch default init 0.25
    prelu_w = jnp.full((HID_CH,), 0.25, dtype=jnp.float32)
    return {"x": x, "edge_index": edge_index, "W": W, "b": b, "prelu_w": prelu_w}


def reference(x, edge_index, W, b, prelu_w):
    N = x.shape[0]
    # GCNConv: linear transform first
    h = x @ W
    # add self loops
    loop = jnp.arange(N, dtype=edge_index.dtype)
    src = jnp.concatenate([edge_index[0], loop])
    dst = jnp.concatenate([edge_index[1], loop])
    ew = jnp.ones((src.shape[0],), dtype=h.dtype)
    # symmetric normalization: deg computed on dst (col)
    deg = jax.ops.segment_sum(ew, dst, num_segments=N)
    deg_inv_sqrt = jnp.where(deg > 0, deg ** -0.5, 0.0)
    norm = deg_inv_sqrt[src] * deg_inv_sqrt[dst]
    # message + scatter-add aggregation
    msgs = h[src] * norm[:, None]
    out = jax.ops.segment_sum(msgs, dst, num_segments=N)
    out = out + b
    # PReLU per-channel
    out = jnp.where(out >= 0, out, prelu_w[None, :] * out)
    return out

if __name__ == "__main__":
    import jax
    _d = setup_inputs()
    print(jax.jit(kernel)(*tuple(_d.values())))

</pallas_src>

<mosaic_0001>
#map = affine_map<(d0, d1) -> (0, 0, 0, 0, 0)>
#map1 = affine_map<(d0, d1) -> (0, 0, 0)>
module attributes {stable_mosaic.version = 14 : i64} {
  func.func @_deg_kernel(%arg0: i32, %arg1: i32, %arg2: memref<2x2x16x80x128xi32, #tpu.memory_space<hbm>>, %arg3: memref<2x10240x16xf32, #tpu.memory_space<hbm>>, %arg4: memref<80x128xi32, #tpu.memory_space<vmem>>, %arg5: memref<128x16xf32, #tpu.memory_space<vmem>>, %arg6: memref<128x16xf32, #tpu.memory_space<vmem>>, %arg7: memref<10240x16xf32, #tpu.memory_space<vmem_shared>>) attributes {dimension_semantics = [#tpu.dimension_semantics<core_parallel>, #tpu.dimension_semantics<subcore_parallel>], iteration_bounds = array<i64: 2, 16>, scalar_prefetch = 0 : i64, scratch_operands = 4 : i64, tpu.core_type = #tpu.core_type<sc_vector_subcore>, window_params = [{transform_indices = #map}, {transform_indices = #map1}]} {
    %run_scoped3A = arith.constant 1 : i32
    "tpu.region"() ({
      %run_scoped3A_22 = tpu.sem_alloc : memref<!tpu.dma_semaphore, #tpu.memory_space<semaphore_mem>>
      %dma_start3A = arith.constant 0 : i32
      %dma_start3A_23 = arith.constant 0 : i32
      %dma_start3A_24 = tpu.memref_slice %arg2[%run_scoped3A, %arg0, %arg1, %dma_start3A, %dma_start3A_23] : memref<2x2x16x80x128xi32, #tpu.memory_space<hbm>> -> memref<1x1x1x80x128xi32, #tpu.memory_space<hbm>>
      %dma_start3A_25 = tpu.memref_squeeze %dma_start3A_24 : memref<1x1x1x80x128xi32, #tpu.memory_space<hbm>> -> memref<80x128xi32, #tpu.memory_space<hbm>>
      %dma_start3A_26 = arith.constant 0 : i32
      %dma_start3A_27 = arith.constant 0 : i32
      %dma_start3A_28 = tpu.memref_slice %arg2[%run_scoped3A, %arg0, %arg1, %dma_start3A_26, %dma_start3A_27] : memref<2x2x16x80x128xi32, #tpu.memory_space<hbm>> -> memref<1x1x1x80x128xi32, #tpu.memory_space<hbm>>
      %dma_start3A_29 = tpu.memref_squeeze %dma_start3A_28 : memref<1x1x1x80x128xi32, #tpu.memory_space<hbm>> -> memref<80x128xi32, #tpu.memory_space<hbm>>
      tpu.enqueue_dma source(%dma_start3A_29 : memref<80x128xi32, #tpu.memory_space<hbm>>) target(%arg4 : memref<80x128xi32, #tpu.memory_space<vmem>>) target_semaphore(%run_scoped3A_22 : memref<!tpu.dma_semaphore, #tpu.memory_space<semaphore_mem>>)
      %dma_wait3A = arith.constant 0 : i32
      %dma_wait3A_30 = arith.constant 0 : i32
      %dma_wait3A_31 = tpu.memref_slice %arg2[%run_scoped3A, %arg0, %arg1, %dma_wait3A, %dma_wait3A_30] : memref<2x2x16x80x128xi32, #tpu.memory_space<hbm>> -> memref<1x1x1x80x128xi32, #tpu.memory_space<hbm>>
      %dma_wait3A_32 = tpu.memref_squeeze %dma_wait3A_31 : memref<1x1x1x80x128xi32, #tpu.memory_space<hbm>> -> memref<80x128xi32, #tpu.memory_space<hbm>>
      %dma_wait3A_33 = arith.constant 0 : i32
      %dma_wait3A_34 = arith.constant 0 : i32
      %dma_wait3A_35 = tpu.memref_slice %arg2[%run_scoped3A, %arg0, %arg1, %dma_wait3A_33, %dma_wait3A_34] : memref<2x2x16x80x128xi32, #tpu.memory_space<hbm>> -> memref<1x1x1x80x128xi32, #tpu.memory_space<hbm>>
      %dma_wait3A_36 = tpu.memref_squeeze %dma_wait3A_35 : memref<1x1x1x80x128xi32, #tpu.memory_space<hbm>> -> memref<80x128xi32, #tpu.memory_space<hbm>>
      tpu.wait_dma2 semaphore(%run_scoped3A_22 : memref<!tpu.dma_semaphore, #tpu.memory_space<semaphore_mem>>) src(%dma_wait3A_36 : memref<80x128xi32, #tpu.memory_space<hbm>>) dst(%arg4 : memref<80x128xi32, #tpu.memory_space<vmem>>)
      tpu.yield
    }) : () -> ()
    %scan3A = arith.constant 0 : i32
    %scan3A_0 = arith.constant 0 : i32
    %scan3A_1 = arith.constant 128 : i32
    %scan3A_2 = arith.addi %scan3A_0, %scan3A_1 : i32
    %scan3A_3 = arith.constant 1 : i32
    scf.for %scan3A_22 = %scan3A_0 to %scan3A_2 step %scan3A_3  : i32 {
      %broadcast_in_dim3A = arith.constant 1.000000e+00 : f32
      %broadcast_in_dim3A_23 = vector.broadcast %broadcast_in_dim3A : f32 to vector<16xf32>
      %swap3A = arith.index_cast %scan3A_22 : i32 to index
      %swap3A_24 = arith.constant 0 : index
      %swap3A_25 = tpu.vector_load %arg5[%swap3A, %swap3A_24] {strides = array<i32>} : memref<128x16xf32, #tpu.memory_space<vmem>>, vector<1x16xf32>,
      %swap3A_26 = vector.shape_cast %swap3A_25 : vector<1x16xf32> to vector<16xf32>
      %swap3A_27 = vector.shape_cast %broadcast_in_dim3A_23 : vector<16xf32> to vector<1x16xf32>
      tpu.vector_store %arg5[%swap3A, %swap3A_24], %swap3A_27 {strides = array<i32>} : memref<128x16xf32, #tpu.memory_space<vmem>>, vector<1x16xf32>,
      %broadcast_in_dim3A_28 = arith.constant 0.000000e+00 : f32
      %broadcast_in_dim3A_29 = vector.broadcast %broadcast_in_dim3A_28 : f32 to vector<16xf32>
      %swap3A_30 = arith.index_cast %scan3A_22 : i32 to index
      %swap3A_31 = arith.constant 0 : index
      %swap3A_32 = tpu.vector_load %arg6[%swap3A_30, %swap3A_31] {strides = array<i32>} : memref<128x16xf32, #tpu.memory_space<vmem>>, vector<1x16xf32>,
      %swap3A_33 = vector.shape_cast %swap3A_32 : vector<1x16xf32> to vector<16xf32>
      %swap3A_34 = vector.shape_cast %broadcast_in_dim3A_29 : vector<16xf32> to vector<1x16xf32>
      tpu.vector_store %arg6[%swap3A_30, %swap3A_31], %swap3A_34 {strides = array<i32>} : memref<128x16xf32, #tpu.memory_space<vmem>>, vector<1x16xf32>,
    }
    %scan3A_4 = arith.constant 128 : i32
    %mul3A = arith.constant 640 : i32
    %mul3A_5 = arith.muli %arg1, %mul3A : i32
    %add3A = arith.constant 0 : i32
    %add3A_6 = arith.addi %mul3A_5, %add3A : i32
    "tpu.region"() ({
      %run_scoped3A_22 = tpu.sem_alloc : memref<!tpu.dma_semaphore, #tpu.memory_space<semaphore_mem>>
      %dma_start3A = arith.constant 0 : i32
      %dma_start3A_23 = tpu.memref_slice %arg7[%add3A_6, %dma_start3A] : memref<10240x16xf32, #tpu.memory_space<vmem_shared>> -> memref<128x16xf32, #tpu.memory_space<vmem_shared>>
      %dma_start3A_24 = arith.constant 0 : i32
      %dma_start3A_25 = tpu.memref_slice %arg7[%add3A_6, %dma_start3A_24] : memref<10240x16xf32, #tpu.memory_space<vmem_shared>> -> memref<128x16xf32, #tpu.memory_space<vmem_shared>>
      tpu.enqueue_dma source(%arg6 : memref<128x16xf32, #tpu.memory_space<vmem>>) target(%dma_start3A_25 : memref<128x16xf32, #tpu.memory_space<vmem_shared>>) target_semaphore(%run_scoped3A_22 : memref<!tpu.dma_semaphore, #tpu.memory_space<semaphore_mem>>)
      %dma_wait3A = arith.constant 0 : i32
      %dma_wait3A_26 = tpu.memref_slice %arg7[%add3A_6, %dma_wait3A] : memref<10240x16xf32, #tpu.memory_space<vmem_shared>> -> memref<128x16xf32, #tpu.memory_space<vmem_shared>>
      %dma_wait3A_27 = arith.constant 0 : i32
      %dma_wait3A_28 = tpu.memref_slice %arg7[%add3A_6, %dma_wait3A_27] : memref<10240x16xf32, #tpu.memory_space<vmem_shared>> -> memref<128x16xf32, #tpu.memory_space<vmem_shared>>
      tpu.wait_dma2 semaphore(%run_scoped3A_22 : memref<!tpu.dma_semaphore, #tpu.memory_space<semaphore_mem>>) src(%arg6 : memref<128x16xf32, #tpu.memory_space<vmem>>) dst(%dma_wait3A_28 : memref<128x16xf32, #tpu.memory_space<vmem_shared>>)
      tpu.yield
    }) : () -> ()
    %add3A_7 = arith.constant 128 : i32
    %add3A_8 = arith.addi %mul3A_5, %add3A_7 : i32
    "tpu.region"() ({
      %run_scoped3A_22 = tpu.sem_alloc : memref<!tpu.dma_semaphore, #tpu.memory_space<semaphore_mem>>
      %dma_start3A = arith.constant 0 : i32
      %dma_start3A_23 = tpu.memref_slice %arg7[%add3A_8, %dma_start3A] : memref<10240x16xf32, #tpu.memory_space<vmem_shared>> -> memref<128x16xf32, #tpu.memory_space<vmem_shared>>
      %dma_start3A_24 = arith.constant 0 : i32
      %dma_start3A_25 = tpu.memref_slice %arg7[%add3A_8, %dma_start3A_24] : memref<10240x16xf32, #tpu.memory_space<vmem_shared>> -> memref<128x16xf32, #tpu.memory_space<vmem_shared>>
      tpu.enqueue_dma source(%arg6 : memref<128x16xf32, #tpu.memory_space<vmem>>) target(%dma_start3A_25 : memref<128x16xf32, #tpu.memory_space<vmem_shared>>) target_semaphore(%run_scoped3A_22 : memref<!tpu.dma_semaphore, #tpu.memory_space<semaphore_mem>>)
      %dma_wait3A = arith.constant 0 : i32
      %dma_wait3A_26 = tpu.memref_slice %arg7[%add3A_8, %dma_wait3A] : memref<10240x16xf32, #tpu.memory_space<vmem_shared>> -> memref<128x16xf32, #tpu.memory_space<vmem_shared>>
      %dma_wait3A_27 = arith.constant 0 : i32
      %dma_wait3A_28 = tpu.memref_slice %arg7[%add3A_8, %dma_wait3A_27] : memref<10240x16xf32, #tpu.memory_space<vmem_shared>> -> memref<128x16xf32, #tpu.memory_space<vmem_shared>>
      tpu.wait_dma2 semaphore(%run_scoped3A_22 : memref<!tpu.dma_semaphore, #tpu.memory_space<semaphore_mem>>) src(%arg6 : memref<128x16xf32, #tpu.memory_space<vmem>>) dst(%dma_wait3A_28 : memref<128x16xf32, #tpu.memory_space<vmem_shared>>)
      tpu.yield
    }) : () -> ()
    %add3A_9 = arith.constant 256 : i32
    %add3A_10 = arith.addi %mul3A_5, %add3A_9 : i32
    "tpu.region"() ({
      %run_scoped3A_22 = tpu.sem_alloc : memref<!tpu.dma_semaphore, #tpu.memory_space<semaphore_mem>>
      %dma_start3A = arith.constant 0 : i32
      %dma_start3A_23 = tpu.memref_slice %arg7[%add3A_10, %dma_start3A] : memref<10240x16xf32, #tpu.memory_space<vmem_shared>> -> memref<128x16xf32, #tpu.memory_space<vmem_shared>>
      %dma_start3A_24 = arith.constant 0 : i32
      %dma_start3A_25 = tpu.memref_slice %arg7[%add3A_10, %dma_start3A_24] : memref<10240x16xf32, #tpu.memory_space<vmem_shared>> -> memref<128x16xf32, #tpu.memory_space<vmem_shared>>
      tpu.enqueue_dma source(%arg6 : memref<128x16xf32, #tpu.memory_space<vmem>>) target(%dma_start3A_25 : memref<128x16xf32, #tpu.memory_space<vmem_shared>>) target_semaphore(%run_scoped3A_22 : memref<!tpu.dma_semaphore, #tpu.memory_space<semaphore_mem>>)
      %dma_wait3A = arith.constant 0 : i32
      %dma_wait3A_26 = tpu.memref_slice %arg7[%add3A_10, %dma_wait3A] : memref<10240x16xf32, #tpu.memory_space<vmem_shared>> -> memref<128x16xf32, #tpu.memory_space<vmem_shared>>
      %dma_wait3A_27 = arith.constant 0 : i32
      %dma_wait3A_28 = tpu.memref_slice %arg7[%add3A_10, %dma_wait3A_27] : memref<10240x16xf32, #tpu.memory_space<vmem_shared>> -> memref<128x16xf32, #tpu.memory_space<vmem_shared>>
      tpu.wait_dma2 semaphore(%run_scoped3A_22 : memref<!tpu.dma_semaphore, #tpu.memory_space<semaphore_mem>>) src(%arg6 : memref<128x16xf32, #tpu.memory_space<vmem>>) dst(%dma_wait3A_28 : memref<128x16xf32, #tpu.memory_space<vmem_shared>>)
      tpu.yield
    }) : () -> ()
    %add3A_11 = arith.constant 384 : i32
    %add3A_12 = arith.addi %mul3A_5, %add3A_11 : i32
    "tpu.region"() ({
      %run_scoped3A_22 = tpu.sem_alloc : memref<!tpu.dma_semaphore, #tpu.memory_space<semaphore_mem>>
      %dma_start3A = arith.constant 0 : i32
      %dma_start3A_23 = tpu.memref_slice %arg7[%add3A_12, %dma_start3A] : memref<10240x16xf32, #tpu.memory_space<vmem_shared>> -> memref<128x16xf32, #tpu.memory_space<vmem_shared>>
      %dma_start3A_24 = arith.constant 0 : i32
      %dma_start3A_25 = tpu.memref_slice %arg7[%add3A_12, %dma_start3A_24] : memref<10240x16xf32, #tpu.memory_space<vmem_shared>> -> memref<128x16xf32, #tpu.memory_space<vmem_shared>>
      tpu.enqueue_dma source(%arg6 : memref<128x16xf32, #tpu.memory_space<vmem>>) target(%dma_start3A_25 : memref<128x16xf32, #tpu.memory_space<vmem_shared>>) target_semaphore(%run_scoped3A_22 : memref<!tpu.dma_semaphore, #tpu.memory_space<semaphore_mem>>)
      %dma_wait3A = arith.constant 0 : i32
      %dma_wait3A_26 = tpu.memref_slice %arg7[%add3A_12, %dma_wait3A] : memref<10240x16xf32, #tpu.memory_space<vmem_shared>> -> memref<128x16xf32, #tpu.memory_space<vmem_shared>>
      %dma_wait3A_27 = arith.constant 0 : i32
      %dma_wait3A_28 = tpu.memref_slice %arg7[%add3A_12, %dma_wait3A_27] : memref<10240x16xf32, #tpu.memory_space<vmem_shared>> -> memref<128x16xf32, #tpu.memory_space<vmem_shared>>
      tpu.wait_dma2 semaphore(%run_scoped3A_22 : memref<!tpu.dma_semaphore, #tpu.memory_space<semaphore_mem>>) src(%arg6 : memref<128x16xf32, #tpu.memory_space<vmem>>) dst(%dma_wait3A_28 : memref<128x16xf32, #tpu.memory_space<vmem_shared>>)
      tpu.yield
    }) : () -> ()
    %add3A_13 = arith.constant 512 : i32
    %add3A_14 = arith.addi %mul3A_5, %add3A_13 : i32
    "tpu.region"() ({
      %run_scoped3A_22 = tpu.sem_alloc : memref<!tpu.dma_semaphore, #tpu.memory_space<semaphore_mem>>
      %dma_start3A = arith.constant 0 : i32
      %dma_start3A_23 = tpu.memref_slice %arg7[%add3A_14, %dma_start3A] : memref<10240x16xf32, #tpu.memory_space<vmem_shared>> -> memref<128x16xf32, #tpu.memory_space<vmem_shared>>
      %dma_start3A_24 = arith.constant 0 : i32
      %dma_start3A_25 = tpu.memref_slice %arg7[%add3A_14, %dma_start3A_24] : memref<10240x16xf32, #tpu.memory_space<vmem_shared>> -> memref<128x16xf32, #tpu.memory_space<vmem_shared>>
      tpu.enqueue_dma source(%arg6 : memref<128x16xf32, #tpu.memory_space<vmem>>) target(%dma_start3A_25 : memref<128x16xf32, #tpu.memory_space<vmem_shared>>) target_semaphore(%run_scoped3A_22 : memref<!tpu.dma_semaphore, #tpu.memory_space<semaphore_mem>>)
      %dma_wait3A = arith.constant 0 : i32
      %dma_wait3A_26 = tpu.memref_slice %arg7[%add3A_14, %dma_wait3A] : memref<10240x16xf32, #tpu.memory_space<vmem_shared>> -> memref<128x16xf32, #tpu.memory_space<vmem_shared>>
      %dma_wait3A_27 = arith.constant 0 : i32
      %dma_wait3A_28 = tpu.memref_slice %arg7[%add3A_14, %dma_wait3A_27] : memref<10240x16xf32, #tpu.memory_space<vmem_shared>> -> memref<128x16xf32, #tpu.memory_space<vmem_shared>>
      tpu.wait_dma2 semaphore(%run_scoped3A_22 : memref<!tpu.dma_semaphore, #tpu.memory_space<semaphore_mem>>) src(%arg6 : memref<128x16xf32, #tpu.memory_space<vmem>>) dst(%dma_wait3A_28 : memref<128x16xf32, #tpu.memory_space<vmem_shared>>)
      tpu.yield
    }) : () -> ()
    %barrier3A = arith.constant 0 : index
    tpu.barrier barrier_id(%barrier3A)
    %scan3A_15 = arith.constant 0 : i32
    %scan3A_16 = arith.constant 0 : i32
    %scan3A_17 = arith.constant 80 : i32
    %scan3A_18 = arith.addi %scan3A_16, %scan3A_17 : i32
    %scan3A_19 = arith.constant 1 : i32
    scf.for %scan3A_22 = %scan3A_16 to %scan3A_18 step %scan3A_19  : i32 {
      "tpu.region"() ({
        %run_scoped3A_23 = tpu.sem_alloc : memref<!tpu.dma_semaphore, #tpu.memory_space<semaphore_mem>>
        %dma_start3A = arith.constant 0 : i32
        %dma_start3A_24 = tpu.memref_slice %arg4[%scan3A_22, %dma_start3A] : memref<80x128xi32, #tpu.memory_space<vmem>> -> memref<1x128xi32, #tpu.memory_space<vmem>>
        %dma_start3A_25 = tpu.memref_squeeze %dma_start3A_24 : memref<1x128xi32, #tpu.memory_space<vmem>> -> memref<128xi32, #tpu.memory_space<vmem>>
        %dma_start3A_26 = arith.constant 0 : i32
        %dma_start3A_27 = arith.constant 0 : i32
        %dma_start3A_28 = tpu.memref_slice %arg7[%dma_start3A_26, %dma_start3A_27] : memref<10240x16xf32, #tpu.memory_space<vmem_shared>> -> memref<10240x16xf32, #tpu.memory_space<vmem_shared>>
        tpu.enqueue_indirect_dma source(%arg5 : memref<128x16xf32, #tpu.memory_space<vmem>>) target(%dma_start3A_28 : memref<10240x16xf32, #tpu.memory_space<vmem_shared>>) offsets(%dma_start3A_25 : memref<128xi32, #tpu.memory_space<vmem>>) semaphore(%run_scoped3A_23 : memref<!tpu.dma_semaphore, #tpu.memory_space<semaphore_mem>>) {add = true}
        %dma_wait3A = arith.constant 0 : i32
        %dma_wait3A_29 = tpu.memref_slice %arg4[%scan3A_22, %dma_wait3A] : memref<80x128xi32, #tpu.memory_space<vmem>> -> memref<1x128xi32, #tpu.memory_space<vmem>>
        %dma_wait3A_30 = tpu.memref_squeeze %dma_wait3A_29 : memref<1x128xi32, #tpu.memory_space<vmem>> -> memref<128xi32, #tpu.memory_space<vmem>>
        %dma_wait3A_31 = arith.constant 0 : i32
        %dma_wait3A_32 = arith.constant 0 : i32
        %dma_wait3A_33 = tpu.memref_slice %arg7[%dma_wait3A_31, %dma_wait3A_32] : memref<10240x16xf32, #tpu.memory_space<vmem_shared>> -> memref<10240x16xf32, #tpu.memory_space<vmem_shared>>
        tpu.wait_indirect_dma semaphore(%run_scoped3A_23 : memref<!tpu.dma_semaphore, #tpu.memory_space<semaphore_mem>>) src(%arg5 : memref<128x16xf32, #tpu.memory_space<vmem>>) dst(%dma_wait3A_33 : memref<10240x16xf32, #tpu.memory_space<vmem_shared>>)
        tpu.yield
      }) : () -> ()
    }
    %scan3A_20 = arith.constant 80 : i32
    %barrier3A_21 = arith.constant 0 : index
    tpu.barrier barrier_id(%barrier3A_21)
    "tpu.region"() ({
      %run_scoped3A_22 = tpu.sem_alloc : memref<!tpu.dma_semaphore, #tpu.memory_space<semaphore_mem>>
      %dma_start3A = arith.constant 0 : i32
      %dma_start3A_23 = tpu.memref_slice %arg3[%arg0, %mul3A_5, %dma_start3A] : memref<2x10240x16xf32, #tpu.memory_space<hbm>> -> memref<1x640x16xf32, #tpu.memory_space<hbm>>
      %dma_start3A_24 = tpu.memref_squeeze %dma_start3A_23 : memref<1x640x16xf32, #tpu.memory_space<hbm>> -> memref<640x16xf32, #tpu.memory_space<hbm>>
      %dma_start3A_25 = arith.constant 0 : i32
      %dma_start3A_26 = tpu.memref_slice %arg7[%mul3A_5, %dma_start3A_25] : memref<10240x16xf32, #tpu.memory_space<vmem_shared>> -> memref<640x16xf32, #tpu.memory_space<vmem_shared>>
      tpu.enqueue_dma source(%dma_start3A_26 : memref<640x16xf32, #tpu.memory_space<vmem_shared>>) target(%dma_start3A_24 : memref<640x16xf32, #tpu.memory_space<hbm>>) target_semaphore(%run_scoped3A_22 : memref<!tpu.dma_semaphore, #tpu.memory_space<semaphore_mem>>)
      %dma_wait3A = arith.constant 0 : i32
      %dma_wait3A_27 = tpu.memref_slice %arg3[%arg0, %mul3A_5, %dma_wait3A] : memref<2x10240x16xf32, #tpu.memory_space<hbm>> -> memref<1x640x16xf32, #tpu.memory_space<hbm>>
      %dma_wait3A_28 = tpu.memref_squeeze %dma_wait3A_27 : memref<1x640x16xf32, #tpu.memory_space<hbm>> -> memref<640x16xf32, #tpu.memory_space<hbm>>
      %dma_wait3A_29 = arith.constant 0 : i32
      %dma_wait3A_30 = tpu.memref_slice %arg7[%mul3A_5, %dma_wait3A_29] : memref<10240x16xf32, #tpu.memory_space<vmem_shared>> -> memref<640x16xf32, #tpu.memory_space<vmem_shared>>
      tpu.wait_dma2 semaphore(%run_scoped3A_22 : memref<!tpu.dma_semaphore, #tpu.memory_space<semaphore_mem>>) src(%dma_wait3A_30 : memref<640x16xf32, #tpu.memory_space<vmem_shared>>) dst(%dma_wait3A_28 : memref<640x16xf32, #tpu.memory_space<hbm>>)
      tpu.yield
    }) : () -> ()
    return
  }
}

#map = affine_map<(d0, d1) -> (0, 0, 0, 0, 0)>
#map1 = affine_map<(d0, d1) -> (0, 0)>
#map2 = affine_map<(d0, d1) -> (0, 0, 0)>
module attributes {stable_mosaic.version = 14 : i64} {
  func.func @_agg_kernel(%arg0: i32, %arg1: i32, %arg2: memref<2x2x16x80x128xi32, #tpu.memory_space<hbm>>, %arg3: memref<10240x128xf32, #tpu.memory_space<hbm>>, %arg4: memref<2x10240x128xf32, #tpu.memory_space<hbm>>, %arg5: memref<40x128xi32, #tpu.memory_space<vmem>>, %arg6: memref<40x128xi32, #tpu.memory_space<vmem>>, %arg7: memref<128x128xf32, #tpu.memory_space<vmem>>, %arg8: memref<128x128xf32, #tpu.memory_space<vmem>>, %arg9: memref<10240x128xf32, #tpu.memory_space<vmem_shared>>, %arg10: memref<!tpu.dma_semaphore, #tpu.memory_space<semaphore_mem>>, %arg11: memref<!tpu.dma_semaphore, #tpu.memory_space<semaphore_mem>>, %arg12: memref<!tpu.dma_semaphore, #tpu.memory_space<semaphore_mem>>, %arg13: memref<!tpu.dma_semaphore, #tpu.memory_space<semaphore_mem>>) attributes {dimension_semantics = [#tpu.dimension_semantics<core_parallel>, #tpu.dimension_semantics<subcore_parallel>], iteration_bounds = array<i64: 2, 16>, scalar_prefetch = 0 : i64, scratch_operands = 9 : i64, tpu.core_type = #tpu.core_type<sc_vector_subcore>, window_params = [{transform_indices = #map}, {transform_indices = #map1}, {transform_indices = #map2}]} {
    %run_scoped3A = arith.constant 0 : i32
    "tpu.region"() ({
      %run_scoped3A_85 = tpu.sem_alloc : memref<!tpu.dma_semaphore, #tpu.memory_space<semaphore_mem>>
      %dma_start3A_86 = arith.constant 0 : i32
      %dma_start3A_87 = arith.constant 0 : i32
      %dma_start3A_88 = tpu.memref_slice %arg2[%run_scoped3A, %arg0, %arg1, %dma_start3A_86, %dma_start3A_87] : memref<2x2x16x80x128xi32, #tpu.memory_space<hbm>> -> memref<1x1x1x40x128xi32, #tpu.memory_space<hbm>>
      %dma_start3A_89 = tpu.memref_squeeze %dma_start3A_88 : memref<1x1x1x40x128xi32, #tpu.memory_space<hbm>> -> memref<40x128xi32, #tpu.memory_space<hbm>>
      %dma_start3A_90 = arith.constant 0 : i32
      %dma_start3A_91 = arith.constant 0 : i32
      %dma_start3A_92 = tpu.memref_slice %arg2[%run_scoped3A, %arg0, %arg1, %dma_start3A_90, %dma_start3A_91] : memref<2x2x16x80x128xi32, #tpu.memory_space<hbm>> -> memref<1x1x1x40x128xi32, #tpu.memory_space<hbm>>
      %dma_start3A_93 = tpu.memref_squeeze %dma_start3A_92 : memref<1x1x1x40x128xi32, #tpu.memory_space<hbm>> -> memref<40x128xi32, #tpu.memory_space<hbm>>
      tpu.enqueue_dma source(%dma_start3A_93 : memref<40x128xi32, #tpu.memory_space<hbm>>) target(%arg5 : memref<40x128xi32, #tpu.memory_space<vmem>>) target_semaphore(%run_scoped3A_85 : memref<!tpu.dma_semaphore, #tpu.memory_space<semaphore_mem>>)
      %dma_wait3A_94 = arith.constant 0 : i32
      %dma_wait3A_95 = arith.constant 0 : i32
      %dma_wait3A_96 = tpu.memref_slice %arg2[%run_scoped3A, %arg0, %arg1, %dma_wait3A_94, %dma_wait3A_95] : memref<2x2x16x80x128xi32, #tpu.memory_space<hbm>> -> memref<1x1x1x40x128xi32, #tpu.memory_space<hbm>>
      %dma_wait3A_97 = tpu.memref_squeeze %dma_wait3A_96 : memref<1x1x1x40x128xi32, #tpu.memory_space<hbm>> -> memref<40x128xi32, #tpu.memory_space<hbm>>
      %dma_wait3A_98 = arith.constant 0 : i32
      %dma_wait3A_99 = arith.constant 0 : i32
      %dma_wait3A_100 = tpu.memref_slice %arg2[%run_scoped3A, %arg0, %arg1, %dma_wait3A_98, %dma_wait3A_99] : memref<2x2x16x80x128xi32, #tpu.memory_space<hbm>> -> memref<1x1x1x40x128xi32, #tpu.memory_space<hbm>>
      %dma_wait3A_101 = tpu.memref_squeeze %dma_wait3A_100 : memref<1x1x1x40x128xi32, #tpu.memory_space<hbm>> -> memref<40x128xi32, #tpu.memory_space<hbm>>
      tpu.wait_dma2 semaphore(%run_scoped3A_85 : memref<!tpu.dma_semaphore, #tpu.memory_space<semaphore_mem>>) src(%dma_wait3A_101 : memref<40x128xi32, #tpu.memory_space<hbm>>) dst(%arg5 : memref<40x128xi32, #tpu.memory_space<vmem>>)
      tpu.yield
    }) : () -> ()
    %run_scoped3A_0 = arith.constant 1 : i32
    "tpu.region"() ({
      %run_scoped3A_85 = tpu.sem_alloc : memref<!tpu.dma_semaphore, #tpu.memory_space<semaphore_mem>>
      %dma_start3A_86 = arith.constant 0 : i32
      %dma_start3A_87 = arith.constant 0 : i32
      %dma_start3A_88 = tpu.memref_slice %arg2[%run_scoped3A_0, %arg0, %arg1, %dma_start3A_86, %dma_start3A_87] : memref<2x2x16x80x128xi32, #tpu.memory_space<hbm>> -> memref<1x1x1x40x128xi32, #tpu.memory_space<hbm>>
      %dma_start3A_89 = tpu.memref_squeeze %dma_start3A_88 : memref<1x1x1x40x128xi32, #tpu.memory_space<hbm>> -> memref<40x128xi32, #tpu.memory_space<hbm>>
      %dma_start3A_90 = arith.constant 0 : i32
      %dma_start3A_91 = arith.constant 0 : i32
      %dma_start3A_92 = tpu.memref_slice %arg2[%run_scoped3A_0, %arg0, %arg1, %dma_start3A_90, %dma_start3A_91] : memref<2x2x16x80x128xi32, #tpu.memory_space<hbm>> -> memref<1x1x1x40x128xi32, #tpu.memory_space<hbm>>
      %dma_start3A_93 = tpu.memref_squeeze %dma_start3A_92 : memref<1x1x1x40x128xi32, #tpu.memory_space<hbm>> -> memref<40x128xi32, #tpu.memory_space<hbm>>
      tpu.enqueue_dma source(%dma_start3A_93 : memref<40x128xi32, #tpu.memory_space<hbm>>) target(%arg6 : memref<40x128xi32, #tpu.memory_space<vmem>>) target_semaphore(%run_scoped3A_85 : memref<!tpu.dma_semaphore, #tpu.memory_space<semaphore_mem>>)
      %dma_wait3A_94 = arith.constant 0 : i32
      %dma_wait3A_95 = arith.constant 0 : i32
      %dma_wait3A_96 = tpu.memref_slice %arg2[%run_scoped3A_0, %arg0, %arg1, %dma_wait3A_94, %dma_wait3A_95] : memref<2x2x16x80x128xi32, #tpu.memory_space<hbm>> -> memref<1x1x1x40x128xi32, #tpu.memory_space<hbm>>
      %dma_wait3A_97 = tpu.memref_squeeze %dma_wait3A_96 : memref<1x1x1x40x128xi32, #tpu.memory_space<hbm>> -> memref<40x128xi32, #tpu.memory_space<hbm>>
      %dma_wait3A_98 = arith.constant 0 : i32
      %dma_wait3A_99 = arith.constant 0 : i32
      %dma_wait3A_100 = tpu.memref_slice %arg2[%run_scoped3A_0, %arg0, %arg1, %dma_wait3A_98, %dma_wait3A_99] : memref<2x2x16x80x128xi32, #tpu.memory_space<hbm>> -> memref<1x1x1x40x128xi32, #tpu.memory_space<hbm>>
      %dma_wait3A_101 = tpu.memref_squeeze %dma_wait3A_100 : memref<1x1x1x40x128xi32, #tpu.memory_space<hbm>> -> memref<40x128xi32, #tpu.memory_space<hbm>>
      tpu.wait_dma2 semaphore(%run_scoped3A_85 : memref<!tpu.dma_semaphore, #tpu.memory_space<semaphore_mem>>) src(%dma_wait3A_101 : memref<40x128xi32, #tpu.memory_space<hbm>>) dst(%arg6 : memref<40x128xi32, #tpu.memory_space<vmem>>)
      tpu.yield
    }) : () -> ()
    %dma_start3A = arith.constant 0 : i32
    %dma_start3A_1 = arith.constant 0 : i32
    %dma_start3A_2 = tpu.memref_slice %arg5[%dma_start3A, %dma_start3A_1] : memref<40x128xi32, #tpu.memory_space<vmem>> -> memref<1x128xi32, #tpu.memory_space<vmem>>
    %dma_start3A_3 = tpu.memref_squeeze %dma_start3A_2 : memref<1x128xi32, #tpu.memory_space<vmem>> -> memref<128xi32, #tpu.memory_space<vmem>>
    %dma_start3A_4 = arith.constant 0 : i32
    %dma_start3A_5 = arith.constant 0 : i32
    %dma_start3A_6 = tpu.memref_slice %arg3[%dma_start3A_4, %dma_start3A_5] : memref<10240x128xf32, #tpu.memory_space<hbm>> -> memref<10240x128xf32, #tpu.memory_space<hbm>>
    tpu.enqueue_indirect_dma source(%dma_start3A_6 : memref<10240x128xf32, #tpu.memory_space<hbm>>) target(%arg7 : memref<128x128xf32, #tpu.memory_space<vmem>>) offsets(%dma_start3A_3 : memref<128xi32, #tpu.memory_space<vmem>>) semaphore(%arg10 : memref<!tpu.dma_semaphore, #tpu.memory_space<semaphore_mem>>)
    %scan3A = arith.constant 0 : i32
    %scan3A_7 = arith.constant 0 : i32
    %scan3A_8 = arith.constant 128 : i32
    %scan3A_9 = arith.addi %scan3A_7, %scan3A_8 : i32
    %scan3A_10 = arith.constant 1 : i32
    scf.for %scan3A_85 = %scan3A_7 to %scan3A_9 step %scan3A_10  : i32 {
      %broadcast_in_dim3A = arith.constant 0.000000e+00 : f32
      %broadcast_in_dim3A_86 = vector.broadcast %broadcast_in_dim3A : f32 to vector<16xf32>
      %swap3A = arith.index_cast %scan3A_85 : i32 to index
      %swap3A_87 = arith.constant 0 : index
      %swap3A_88 = tpu.vector_load %arg8[%swap3A, %swap3A_87] {strides = array<i32>} : memref<128x128xf32, #tpu.memory_space<vmem>>, vector<1x16xf32>,
      %swap3A_89 = vector.shape_cast %swap3A_88 : vector<1x16xf32> to vector<16xf32>
      %swap3A_90 = vector.shape_cast %broadcast_in_dim3A_86 : vector<16xf32> to vector<1x16xf32>
      tpu.vector_store %arg8[%swap3A, %swap3A_87], %swap3A_90 {strides = array<i32>} : memref<128x128xf32, #tpu.memory_space<vmem>>, vector<1x16xf32>,
      %broadcast_in_dim3A_91 = arith.constant 0.000000e+00 : f32
      %broadcast_in_dim3A_92 = vector.broadcast %broadcast_in_dim3A_91 : f32 to vector<16xf32>
      %swap3A_93 = arith.index_cast %scan3A_85 : i32 to index
      %swap3A_94 = arith.constant 16 : index
      %swap3A_95 = tpu.vector_load %arg8[%swap3A_93, %swap3A_94] {strides = array<i32>} : memref<128x128xf32, #tpu.memory_space<vmem>>, vector<1x16xf32>,
      %swap3A_96 = vector.shape_cast %swap3A_95 : vector<1x16xf32> to vector<16xf32>
      %swap3A_97 = vector.shape_cast %broadcast_in_dim3A_92 : vector<16xf32> to vector<1x16xf32>
      tpu.vector_store %arg8[%swap3A_93, %swap3A_94], %swap3A_97 {strides = array<i32>} : memref<128x128xf32, #tpu.memory_space<vmem>>, vector<1x16xf32>,
      %broadcast_in_dim3A_98 = arith.constant 0.000000e+00 : f32
      %broadcast_in_dim3A_99 = vector.broadcast %broadcast_in_dim3A_98 : f32 to vector<16xf32>
      %swap3A_100 = arith.index_cast %scan3A_85 : i32 to index
      %swap3A_101 = arith.constant 32 : index
      %swap3A_102 = tpu.vector_load %arg8[%swap3A_100, %swap3A_101] {strides = array<i32>} : memref<128x128xf32, #tpu.memory_space<vmem>>, vector<1x16xf32>,
      %swap3A_103 = vector.shape_cast %swap3A_102 : vector<1x16xf32> to vector<16xf32>
      %swap3A_104 = vector.shape_cast %broadcast_in_dim3A_99 : vector<16xf32> to vector<1x16xf32>
      tpu.vector_store %arg8[%swap3A_100, %swap3A_101], %swap3A_104 {strides = array<i32>} : memref<128x128xf32, #tpu.memory_space<vmem>>, vector<1x16xf32>,
      %broadcast_in_dim3A_105 = arith.constant 0.000000e+00 : f32
      %broadcast_in_dim3A_106 = vector.broadcast %broadcast_in_dim3A_105 : f32 to vector<16xf32>
      %swap3A_107 = arith.index_cast %scan3A_85 : i32 to index
      %swap3A_108 = arith.constant 48 : index
      %swap3A_109 = tpu.vector_load %arg8[%swap3A_107, %swap3A_108] {strides = array<i32>} : memref<128x128xf32, #tpu.memory_space<vmem>>, vector<1x16xf32>,
      %swap3A_110 = vector.shape_cast %swap3A_109 : vector<1x16xf32> to vector<16xf32>
      %swap3A_111 = vector.shape_cast %broadcast_in_dim3A_106 : vector<16xf32> to vector<1x16xf32>
      tpu.vector_store %arg8[%swap3A_107, %swap3A_108], %swap3A_111 {strides = array<i32>} : memref<128x128xf32, #tpu.memory_space<vmem>>, vector<1x16xf32>,
      %broadcast_in_dim3A_112 = arith.constant 0.000000e+00 : f32
      %broadcast_in_dim3A_113 = vector.broadcast %broadcast_in_dim3A_112 : f32 to vector<16xf32>
      %swap3A_114 = arith.index_cast %scan3A_85 : i32 to index
      %swap3A_115 = arith.constant 64 : index
      %swap3A_116 = tpu.vector_load %arg8[%swap3A_114, %swap3A_115] {strides = array<i32>} : memref<128x128xf32, #tpu.memory_space<vmem>>, vector<1x16xf32>,
      %swap3A_117 = vector.shape_cast %swap3A_116 : vector<1x16xf32> to vector<16xf32>
      %swap3A_118 = vector.shape_cast %broadcast_in_dim3A_113 : vector<16xf32> to vector<1x16xf32>
      tpu.vector_store %arg8[%swap3A_114, %swap3A_115], %swap3A_118 {strides = array<i32>} : memref<128x128xf32, #tpu.memory_space<vmem>>, vector<1x16xf32>,
      %broadcast_in_dim3A_119 = arith.constant 0.000000e+00 : f32
      %broadcast_in_dim3A_120 = vector.broadcast %broadcast_in_dim3A_119 : f32 to vector<16xf32>
      %swap3A_121 = arith.index_cast %scan3A_85 : i32 to index
      %swap3A_122 = arith.constant 80 : index
      %swap3A_123 = tpu.vector_load %arg8[%swap3A_121, %swap3A_122] {strides = array<i32>} : memref<128x128xf32, #tpu.memory_space<vmem>>, vector<1x16xf32>,
      %swap3A_124 = vector.shape_cast %swap3A_123 : vector<1x16xf32> to vector<16xf32>
      %swap3A_125 = vector.shape_cast %broadcast_in_dim3A_120 : vector<16xf32> to vector<1x16xf32>
      tpu.vector_store %arg8[%swap3A_121, %swap3A_122], %swap3A_125 {strides = array<i32>} : memref<128x128xf32, #tpu.memory_space<vmem>>, vector<1x16xf32>,
      %broadcast_in_dim3A_126 = arith.constant 0.000000e+00 : f32
      %broadcast_in_dim3A_127 = vector.broadcast %broadcast_in_dim3A_126 : f32 to vector<16xf32>
      %swap3A_128 = arith.index_cast %scan3A_85 : i32 to index
      %swap3A_129 = arith.constant 96 : index
      %swap3A_130 = tpu.vector_load %arg8[%swap3A_128, %swap3A_129] {strides = array<i32>} : memref<128x128xf32, #tpu.memory_space<vmem>>, vector<1x16xf32>,
      %swap3A_131 = vector.shape_cast %swap3A_130 : vector<1x16xf32> to vector<16xf32>
      %swap3A_132 = vector.shape_cast %broadcast_in_dim3A_127 : vector<16xf32> to vector<1x16xf32>
      tpu.vector_store %arg8[%swap3A_128, %swap3A_129], %swap3A_132 {strides = array<i32>} : memref<128x128xf32, #tpu.memory_space<vmem>>, vector<1x16xf32>,
      %broadcast_in_dim3A_133 = arith.constant 0.000000e+00 : f32
      %broadcast_in_dim3A_134 = vector.broadcast %broadcast_in_dim3A_133 : f32 to vector<16xf32>
      %swap3A_135 = arith.index_cast %scan3A_85 : i32 to index
      %swap3A_136 = arith.constant 112 : index
      %swap3A_137 = tpu.vector_load %arg8[%swap3A_135, %swap3A_136] {strides = array<i32>} : memref<128x128xf32, #tpu.memory_space<vmem>>, vector<1x16xf32>,
      %swap3A_138 = vector.shape_cast %swap3A_137 : vector<1x16xf32> to vector<16xf32>
      %swap3A_139 = vector.shape_cast %broadcast_in_dim3A_134 : vector<16xf32> to vector<1x16xf32>
      tpu.vector_store %arg8[%swap3A_135, %swap3A_136], %swap3A_139 {strides = array<i32>} : memref<128x128xf32, #tpu.memory_space<vmem>>, vector<1x16xf32>,
    }
    %scan3A_11 = arith.constant 128 : i32
    %mul3A = arith.constant 640 : i32
    %mul3A_12 = arith.muli %arg1, %mul3A : i32
    %add3A = arith.constant 0 : i32
    %add3A_13 = arith.addi %mul3A_12, %add3A : i32
    "tpu.region"() ({
      %run_scoped3A_85 = tpu.sem_alloc : memref<!tpu.dma_semaphore, #tpu.memory_space<semaphore_mem>>
      %dma_start3A_86 = arith.constant 0 : i32
      %dma_start3A_87 = tpu.memref_slice %arg9[%add3A_13, %dma_start3A_86] : memref<10240x128xf32, #tpu.memory_space<vmem_shared>> -> memref<128x128xf32, #tpu.memory_space<vmem_shared>>
      %dma_start3A_88 = arith.constant 0 : i32
      %dma_start3A_89 = tpu.memref_slice %arg9[%add3A_13, %dma_start3A_88] : memref<10240x128xf32, #tpu.memory_space<vmem_shared>> -> memref<128x128xf32, #tpu.memory_space<vmem_shared>>
      tpu.enqueue_dma source(%arg8 : memref<128x128xf32, #tpu.memory_space<vmem>>) target(%dma_start3A_89 : memref<128x128xf32, #tpu.memory_space<vmem_shared>>) target_semaphore(%run_scoped3A_85 : memref<!tpu.dma_semaphore, #tpu.memory_space<semaphore_mem>>)
      %dma_wait3A_90 = arith.constant 0 : i32
      %dma_wait3A_91 = tpu.memref_slice %arg9[%add3A_13, %dma_wait3A_90] : memref<10240x128xf32, #tpu.memory_space<vmem_shared>> -> memref<128x128xf32, #tpu.memory_space<vmem_shared>>
      %dma_wait3A_92 = arith.constant 0 : i32
      %dma_wait3A_93 = tpu.memref_slice %arg9[%add3A_13, %dma_wait3A_92] : memref<10240x128xf32, #tpu.memory_space<vmem_shared>> -> memref<128x128xf32, #tpu.memory_space<vmem_shared>>
      tpu.wait_dma2 semaphore(%run_scoped3A_85 : memref<!tpu.dma_semaphore, #tpu.memory_space<semaphore_mem>>) src(%arg8 : memref<128x128xf32, #tpu.memory_space<vmem>>) dst(%dma_wait3A_93 : memref<128x128xf32, #tpu.memory_space<vmem_shared>>)
      tpu.yield
    }) : () -> ()
    %add3A_14 = arith.constant 128 : i32
    %add3A_15 = arith.addi %mul3A_12, %add3A_14 : i32
    "tpu.region"() ({
      %run_scoped3A_85 = tpu.sem_alloc : memref<!tpu.dma_semaphore, #tpu.memory_space<semaphore_mem>>
      %dma_start3A_86 = arith.constant 0 : i32
      %dma_start3A_87 = tpu.memref_slice %arg9[%add3A_15, %dma_start3A_86] : memref<10240x128xf32, #tpu.memory_space<vmem_shared>> -> memref<128x128xf32, #tpu.memory_space<vmem_shared>>
      %dma_start3A_88 = arith.constant 0 : i32
      %dma_start3A_89 = tpu.memref_slice %arg9[%add3A_15, %dma_start3A_88] : memref<10240x128xf32, #tpu.memory_space<vmem_shared>> -> memref<128x128xf32, #tpu.memory_space<vmem_shared>>
      tpu.enqueue_dma source(%arg8 : memref<128x128xf32, #tpu.memory_space<vmem>>) target(%dma_start3A_89 : memref<128x128xf32, #tpu.memory_space<vmem_shared>>) target_semaphore(%run_scoped3A_85 : memref<!tpu.dma_semaphore, #tpu.memory_space<semaphore_mem>>)
      %dma_wait3A_90 = arith.constant 0 : i32
      %dma_wait3A_91 = tpu.memref_slice %arg9[%add3A_15, %dma_wait3A_90] : memref<10240x128xf32, #tpu.memory_space<vmem_shared>> -> memref<128x128xf32, #tpu.memory_space<vmem_shared>>
      %dma_wait3A_92 = arith.constant 0 : i32
      %dma_wait3A_93 = tpu.memref_slice %arg9[%add3A_15, %dma_wait3A_92] : memref<10240x128xf32, #tpu.memory_space<vmem_shared>> -> memref<128x128xf32, #tpu.memory_space<vmem_shared>>
      tpu.wait_dma2 semaphore(%run_scoped3A_85 : memref<!tpu.dma_semaphore, #tpu.memory_space<semaphore_mem>>) src(%arg8 : memref<128x128xf32, #tpu.memory_space<vmem>>) dst(%dma_wait3A_93 : memref<128x128xf32, #tpu.memory_space<vmem_shared>>)
      tpu.yield
    }) : () -> ()
    %add3A_16 = arith.constant 256 : i32
    %add3A_17 = arith.addi %mul3A_12, %add3A_16 : i32
    "tpu.region"() ({
      %run_scoped3A_85 = tpu.sem_alloc : memref<!tpu.dma_semaphore, #tpu.memory_space<semaphore_mem>>
      %dma_start3A_86 = arith.constant 0 : i32
      %dma_start3A_87 = tpu.memref_slice %arg9[%add3A_17, %dma_start3A_86] : memref<10240x128xf32, #tpu.memory_space<vmem_shared>> -> memref<128x128xf32, #tpu.memory_space<vmem_shared>>
      %dma_start3A_88 = arith.constant 0 : i32
      %dma_start3A_89 = tpu.memref_slice %arg9[%add3A_17, %dma_start3A_88] : memref<10240x128xf32, #tpu.memory_space<vmem_shared>> -> memref<128x128xf32, #tpu.memory_space<vmem_shared>>
      tpu.enqueue_dma source(%arg8 : memref<128x128xf32, #tpu.memory_space<vmem>>) target(%dma_start3A_89 : memref<128x128xf32, #tpu.memory_space<vmem_shared>>) target_semaphore(%run_scoped3A_85 : memref<!tpu.dma_semaphore, #tpu.memory_space<semaphore_mem>>)
      %dma_wait3A_90 = arith.constant 0 : i32
      %dma_wait3A_91 = tpu.memref_slice %arg9[%add3A_17, %dma_wait3A_90] : memref<10240x128xf32, #tpu.memory_space<vmem_shared>> -> memref<128x128xf32, #tpu.memory_space<vmem_shared>>
      %dma_wait3A_92 = arith.constant 0 : i32
      %dma_wait3A_93 = tpu.memref_slice %arg9[%add3A_17, %dma_wait3A_92] : memref<10240x128xf32, #tpu.memory_space<vmem_shared>> -> memref<128x128xf32, #tpu.memory_space<vmem_shared>>
      tpu.wait_dma2 semaphore(%run_scoped3A_85 : memref<!tpu.dma_semaphore, #tpu.memory_space<semaphore_mem>>) src(%arg8 : memref<128x128xf32, #tpu.memory_space<vmem>>) dst(%dma_wait3A_93 : memref<128x128xf32, #tpu.memory_space<vmem_shared>>)
      tpu.yield
    }) : () -> ()
    %add3A_18 = arith.constant 384 : i32
    %add3A_19 = arith.addi %mul3A_12, %add3A_18 : i32
    "tpu.region"() ({
      %run_scoped3A_85 = tpu.sem_alloc : memref<!tpu.dma_semaphore, #tpu.memory_space<semaphore_mem>>
      %dma_start3A_86 = arith.constant 0 : i32
      %dma_start3A_87 = tpu.memref_slice %arg9[%add3A_19, %dma_start3A_86] : memref<10240x128xf32, #tpu.memory_space<vmem_shared>> -> memref<128x128xf32, #tpu.memory_space<vmem_shared>>
      %dma_start3A_88 = arith.constant 0 : i32
      %dma_start3A_89 = tpu.memref_slice %arg9[%add3A_19, %dma_start3A_88] : memref<10240x128xf32, #tpu.memory_space<vmem_shared>> -> memref<128x128xf32, #tpu.memory_space<vmem_shared>>
      tpu.enqueue_dma source(%arg8 : memref<128x128xf32, #tpu.memory_space<vmem>>) target(%dma_start3A_89 : memref<128x128xf32, #tpu.memory_space<vmem_shared>>) target_semaphore(%run_scoped3A_85 : memref<!tpu.dma_semaphore, #tpu.memory_space<semaphore_mem>>)
      %dma_wait3A_90 = arith.constant 0 : i32
      %dma_wait3A_91 = tpu.memref_slice %arg9[%add3A_19, %dma_wait3A_90] : memref<10240x128xf32, #tpu.memory_space<vmem_shared>> -> memref<128x128xf32, #tpu.memory_space<vmem_shared>>
      %dma_wait3A_92 = arith.constant 0 : i32
      %dma_wait3A_93 = tpu.memref_slice %arg9[%add3A_19, %dma_wait3A_92] : memref<10240x128xf32, #tpu.memory_space<vmem_shared>> -> memref<128x128xf32, #tpu.memory_space<vmem_shared>>
      tpu.wait_dma2 semaphore(%run_scoped3A_85 : memref<!tpu.dma_semaphore, #tpu.memory_space<semaphore_mem>>) src(%arg8 : memref<128x128xf32, #tpu.memory_space<vmem>>) dst(%dma_wait3A_93 : memref<128x128xf32, #tpu.memory_space<vmem_shared>>)
      tpu.yield
    }) : () -> ()
    %add3A_20 = arith.constant 512 : i32
    %add3A_21 = arith.addi %mul3A_12, %add3A_20 : i32
    "tpu.region"() ({
      %run_scoped3A_85 = tpu.sem_alloc : memref<!tpu.dma_semaphore, #tpu.memory_space<semaphore_mem>>
      %dma_start3A_86 = arith.constant 0 : i32
      %dma_start3A_87 = tpu.memref_slice %arg9[%add3A_21, %dma_start3A_86] : memref<10240x128xf32, #tpu.memory_space<vmem_shared>> -> memref<128x128xf32, #tpu.memory_space<vmem_shared>>
      %dma_start3A_88 = arith.constant 0 : i32
      %dma_start3A_89 = tpu.memref_slice %arg9[%add3A_21, %dma_start3A_88] : memref<10240x128xf32, #tpu.memory_space<vmem_shared>> -> memref<128x128xf32, #tpu.memory_space<vmem_shared>>
      tpu.enqueue_dma source(%arg8 : memref<128x128xf32, #tpu.memory_space<vmem>>) target(%dma_start3A_89 : memref<128x128xf32, #tpu.memory_space<vmem_shared>>) target_semaphore(%run_scoped3A_85 : memref<!tpu.dma_semaphore, #tpu.memory_space<semaphore_mem>>)
      %dma_wait3A_90 = arith.constant 0 : i32
      %dma_wait3A_91 = tpu.memref_slice %arg9[%add3A_21, %dma_wait3A_90] : memref<10240x128xf32, #tpu.memory_space<vmem_shared>> -> memref<128x128xf32, #tpu.memory_space<vmem_shared>>
      %dma_wait3A_92 = arith.constant 0 : i32
      %dma_wait3A_93 = tpu.memref_slice %arg9[%add3A_21, %dma_wait3A_92] : memref<10240x128xf32, #tpu.memory_space<vmem_shared>> -> memref<128x128xf32, #tpu.memory_space<vmem_shared>>
      tpu.wait_dma2 semaphore(%run_scoped3A_85 : memref<!tpu.dma_semaphore, #tpu.memory_space<semaphore_mem>>) src(%arg8 : memref<128x128xf32, #tpu.memory_space<vmem>>) dst(%dma_wait3A_93 : memref<128x128xf32, #tpu.memory_space<vmem_shared>>)
      tpu.yield
    }) : () -> ()
    %barrier3A = arith.constant 0 : index
    tpu.barrier barrier_id(%barrier3A)
    %dma_start3A_22 = arith.constant 1 : i32
    %dma_start3A_23 = arith.constant 0 : i32
    %dma_start3A_24 = tpu.memref_slice %arg5[%dma_start3A_22, %dma_start3A_23] : memref<40x128xi32, #tpu.memory_space<vmem>> -> memref<1x128xi32, #tpu.memory_space<vmem>>
    %dma_start3A_25 = tpu.memref_squeeze %dma_start3A_24 : memref<1x128xi32, #tpu.memory_space<vmem>> -> memref<128xi32, #tpu.memory_space<vmem>>
    %dma_start3A_26 = arith.constant 0 : i32
    %dma_start3A_27 = arith.constant 0 : i32
    %dma_start3A_28 = tpu.memref_slice %arg3[%dma_start3A_26, %dma_start3A_27] : memref<10240x128xf32, #tpu.memory_space<hbm>> -> memref<10240x128xf32, #tpu.memory_space<hbm>>
    tpu.enqueue_indirect_dma source(%dma_start3A_28 : memref<10240x128xf32, #tpu.memory_space<hbm>>) target(%arg8 : memref<128x128xf32, #tpu.memory_space<vmem>>) offsets(%dma_start3A_25 : memref<128xi32, #tpu.memory_space<vmem>>) semaphore(%arg11 : memref<!tpu.dma_semaphore, #tpu.memory_space<semaphore_mem>>)
    %scan3A_29 = arith.constant 0 : i32
    %scan3A_30 = arith.constant 0 : i32
    %scan3A_31 = arith.constant 20 : i32
    %scan3A_32 = arith.addi %scan3A_30, %scan3A_31 : i32
    %scan3A_33 = arith.constant 1 : i32
    scf.for %scan3A_85 = %scan3A_30 to %scan3A_32 step %scan3A_33  : i32 {
      %mul3A_86 = arith.constant 2 : i32
      %mul3A_87 = arith.muli %mul3A_86, %scan3A_85 : i32
      %add3A_88 = arith.constant 0 : i32
      %add3A_89 = arith.addi %mul3A_87, %add3A_88 : i32
      %dma_wait3A_90 = arith.constant 0 : i32
      %dma_wait3A_91 = tpu.memref_slice %arg5[%add3A_89, %dma_wait3A_90] : memref<40x128xi32, #tpu.memory_space<vmem>> -> memref<1x128xi32, #tpu.memory_space<vmem>>
      %dma_wait3A_92 = tpu.memref_squeeze %dma_wait3A_91 : memref<1x128xi32, #tpu.memory_space<vmem>> -> memref<128xi32, #tpu.memory_space<vmem>>
      %dma_wait3A_93 = arith.constant 0 : i32
      %dma_wait3A_94 = arith.constant 0 : i32
      %dma_wait3A_95 = tpu.memref_slice %arg3[%dma_wait3A_93, %dma_wait3A_94] : memref<10240x128xf32, #tpu.memory_space<hbm>> -> memref<10240x128xf32, #tpu.memory_space<hbm>>
      tpu.wait_indirect_dma semaphore(%arg10 : memref<!tpu.dma_semaphore, #tpu.memory_space<semaphore_mem>>) src(%dma_wait3A_95 : memref<10240x128xf32, #tpu.memory_space<hbm>>) dst(%arg7 : memref<128x128xf32, #tpu.memory_space<vmem>>)
      %dma_start3A_96 = arith.constant 0 : i32
      %dma_start3A_97 = tpu.memref_slice %arg6[%add3A_89, %dma_start3A_96] : memref<40x128xi32, #tpu.memory_space<vmem>> -> memref<1x128xi32, #tpu.memory_space<vmem>>
      %dma_start3A_98 = tpu.memref_squeeze %dma_start3A_97 : memref<1x128xi32, #tpu.memory_space<vmem>> -> memref<128xi32, #tpu.memory_space<vmem>>
      %dma_start3A_99 = arith.constant 0 : i32
      %dma_start3A_100 = arith.constant 0 : i32
      %dma_start3A_101 = tpu.memref_slice %arg9[%dma_start3A_99, %dma_start3A_100] : memref<10240x128xf32, #tpu.memory_space<vmem_shared>> -> memref<10240x128xf32, #tpu.memory_space<vmem_shared>>
      tpu.enqueue_indirect_dma source(%arg7 : memref<128x128xf32, #tpu.memory_space<vmem>>) target(%dma_start3A_101 : memref<10240x128xf32, #tpu.memory_space<vmem_shared>>) offsets(%dma_start3A_98 : memref<128xi32, #tpu.memory_space<vmem>>) semaphore(%arg12 : memref<!tpu.dma_semaphore, #tpu.memory_space<semaphore_mem>>) {add = true}
      %dma_wait3A_102 = arith.constant 0 : i32
      %dma_wait3A_103 = tpu.memref_slice %arg6[%add3A_89, %dma_wait3A_102] : memref<40x128xi32, #tpu.memory_space<vmem>> -> memref<1x128xi32, #tpu.memory_space<vmem>>
      %dma_wait3A_104 = tpu.memref_squeeze %dma_wait3A_103 : memref<1x128xi32, #tpu.memory_space<vmem>> -> memref<128xi32, #tpu.memory_space<vmem>>
      %dma_wait3A_105 = arith.constant 0 : i32
      %dma_wait3A_106 = arith.constant 0 : i32
      %dma_wait3A_107 = tpu.memref_slice %arg9[%dma_wait3A_105, %dma_wait3A_106] : memref<10240x128xf32, #tpu.memory_space<vmem_shared>> -> memref<10240x128xf32, #tpu.memory_space<vmem_shared>>
      tpu.wait_indirect_dma semaphore(%arg12 : memref<!tpu.dma_semaphore, #tpu.memory_space<semaphore_mem>>) src(%arg7 : memref<128x128xf32, #tpu.memory_space<vmem>>) dst(%dma_wait3A_107 : memref<10240x128xf32, #tpu.memory_space<vmem_shared>>)
      %add3A_108 = arith.constant 2 : i32
      %add3A_109 = arith.addi %add3A_89, %add3A_108 : i32
      %min3A = arith.constant 39 : i32
      %min3A_110 = arith.minsi %add3A_109, %min3A : i32
      %dma_start3A_111 = arith.constant 0 : i32
      %dma_start3A_112 = tpu.memref_slice %arg5[%min3A_110, %dma_start3A_111] : memref<40x128xi32, #tpu.memory_space<vmem>> -> memref<1x128xi32, #tpu.memory_space<vmem>>
      %dma_start3A_113 = tpu.memref_squeeze %dma_start3A_112 : memref<1x128xi32, #tpu.memory_space<vmem>> -> memref<128xi32, #tpu.memory_space<vmem>>
      %dma_start3A_114 = arith.constant 0 : i32
      %dma_start3A_115 = arith.constant 0 : i32
      %dma_start3A_116 = tpu.memref_slice %arg3[%dma_start3A_114, %dma_start3A_115] : memref<10240x128xf32, #tpu.memory_space<hbm>> -> memref<10240x128xf32, #tpu.memory_space<hbm>>
      tpu.enqueue_indirect_dma source(%dma_start3A_116 : memref<10240x128xf32, #tpu.memory_space<hbm>>) target(%arg7 : memref<128x128xf32, #tpu.memory_space<vmem>>) offsets(%dma_start3A_113 : memref<128xi32, #tpu.memory_space<vmem>>) semaphore(%arg10 : memref<!tpu.dma_semaphore, #tpu.memory_space<semaphore_mem>>)
      %mul3A_117 = arith.constant 2 : i32
      %mul3A_118 = arith.muli %mul3A_117, %scan3A_85 : i32
      %add3A_119 = arith.constant 1 : i32
      %add3A_120 = arith.addi %mul3A_118, %add3A_119 : i32
      %dma_wait3A_121 = arith.constant 0 : i32
      %dma_wait3A_122 = tpu.memref_slice %arg5[%add3A_120, %dma_wait3A_121] : memref<40x128xi32, #tpu.memory_space<vmem>> -> memref<1x128xi32, #tpu.memory_space<vmem>>
      %dma_wait3A_123 = tpu.memref_squeeze %dma_wait3A_122 : memref<1x128xi32, #tpu.memory_space<vmem>> -> memref<128xi32, #tpu.memory_space<vmem>>
      %dma_wait3A_124 = arith.constant 0 : i32
      %dma_wait3A_125 = arith.constant 0 : i32
      %dma_wait3A_126 = tpu.memref_slice %arg3[%dma_wait3A_124, %dma_wait3A_125] : memref<10240x128xf32, #tpu.memory_space<hbm>> -> memref<10240x128xf32, #tpu.memory_space<hbm>>
      tpu.wait_indirect_dma semaphore(%arg11 : memref<!tpu.dma_semaphore, #tpu.memory_space<semaphore_mem>>) src(%dma_wait3A_126 : memref<10240x128xf32, #tpu.memory_space<hbm>>) dst(%arg8 : memref<128x128xf32, #tpu.memory_space<vmem>>)
      %dma_start3A_127 = arith.constant 0 : i32
      %dma_start3A_128 = tpu.memref_slice %arg6[%add3A_120, %dma_start3A_127] : memref<40x128xi32, #tpu.memory_space<vmem>> -> memref<1x128xi32, #tpu.memory_space<vmem>>
      %dma_start3A_129 = tpu.memref_squeeze %dma_start3A_128 : memref<1x128xi32, #tpu.memory_space<vmem>> -> memref<128xi32, #tpu.memory_space<vmem>>
      %dma_start3A_130 = arith.constant 0 : i32
      %dma_start3A_131 = arith.constant 0 : i32
      %dma_start3A_132 = tpu.memref_slice %arg9[%dma_start3A_130, %dma_start3A_131] : memref<10240x128xf32, #tpu.memory_space<vmem_shared>> -> memref<10240x128xf32, #tpu.memory_space<vmem_shared>>
      tpu.enqueue_indirect_dma source(%arg8 : memref<128x128xf32, #tpu.memory_space<vmem>>) target(%dma_start3A_132 : memref<10240x128xf32, #tpu.memory_space<vmem_shared>>) offsets(%dma_start3A_129 : memref<128xi32, #tpu.memory_space<vmem>>) semaphore(%arg13 : memref<!tpu.dma_semaphore, #tpu.memory_space<semaphore_mem>>) {add = true}
      %dma_wait3A_133 = arith.constant 0 : i32
      %dma_wait3A_134 = tpu.memref_slice %arg6[%add3A_120, %dma_wait3A_133] : memref<40x128xi32, #tpu.memory_space<vmem>> -> memref<1x128xi32, #tpu.memory_space<vmem>>
      %dma_wait3A_135 = tpu.memref_squeeze %dma_wait3A_134 : memref<1x128xi32, #tpu.memory_space<vmem>> -> memref<128xi32, #tpu.memory_space<vmem>>
      %dma_wait3A_136 = arith.constant 0 : i32
      %dma_wait3A_137 = arith.constant 0 : i32
      %dma_wait3A_138 = tpu.memref_slice %arg9[%dma_wait3A_136, %dma_wait3A_137] : memref<10240x128xf32, #tpu.memory_space<vmem_shared>> -> memref<10240x128xf32, #tpu.memory_space<vmem_shared>>
      tpu.wait_indirect_dma semaphore(%arg13 : memref<!tpu.dma_semaphore, #tpu.memory_space<semaphore_mem>>) src(%arg8 : memref<128x128xf32, #tpu.memory_space<vmem>>) dst(%dma_wait3A_138 : memref<10240x128xf32, #tpu.memory_space<vmem_shared>>)
      %add3A_139 = arith.constant 2 : i32
      %add3A_140 = arith.addi %add3A_120, %add3A_139 : i32
      %min3A_141 = arith.constant 39 : i32
      %min3A_142 = arith.minsi %add3A_140, %min3A_141 : i32
      %dma_start3A_143 = arith.constant 0 : i32
      %dma_start3A_144 = tpu.memref_slice %arg5[%min3A_142, %dma_start3A_143] : memref<40x128xi32, #tpu.memory_space<vmem>> -> memref<1x128xi32, #tpu.memory_space<vmem>>
      %dma_start3A_145 = tpu.memref_squeeze %dma_start3A_144 : memref<1x128xi32, #tpu.memory_space<vmem>> -> memref<128xi32, #tpu.memory_space<vmem>>
      %dma_start3A_146 = arith.constant 0 : i32
      %dma_start3A_147 = arith.constant 0 : i32
      %dma_start3A_148 = tpu.memref_slice %arg3[%dma_start3A_146, %dma_start3A_147] : memref<10240x128xf32, #tpu.memory_space<hbm>> -> memref<10240x128xf32, #tpu.memory_space<hbm>>
      tpu.enqueue_indirect_dma source(%dma_start3A_148 : memref<10240x128xf32, #tpu.memory_space<hbm>>) target(%arg8 : memref<128x128xf32, #tpu.memory_space<vmem>>) offsets(%dma_start3A_145 : memref<128xi32, #tpu.memory_space<vmem>>) semaphore(%arg11 : memref<!tpu.dma_semaphore, #tpu.memory_space<semaphore_mem>>)
    }
    %scan3A_34 = arith.constant 20 : i32
    %dma_wait3A = arith.constant 39 : i32
    %dma_wait3A_35 = arith.constant 0 : i32
    %dma_wait3A_36 = tpu.memref_slice %arg5[%dma_wait3A, %dma_wait3A_35] : memref<40x128xi32, #tpu.memory_space<vmem>> -> memref<1x128xi32, #tpu.memory_space<vmem>>
    %dma_wait3A_37 = tpu.memref_squeeze %dma_wait3A_36 : memref<1x128xi32, #tpu.memory_space<vmem>> -> memref<128xi32, #tpu.memory_space<vmem>>
    %dma_wait3A_38 = arith.constant 0 : i32
    %dma_wait3A_39 = arith.constant 0 : i32
    %dma_wait3A_40 = tpu.memref_slice %arg3[%dma_wait3A_38, %dma_wait3A_39] : memref<10240x128xf32, #tpu.memory_space<hbm>> -> memref<10240x128xf32, #tpu.memory_space<hbm>>
    tpu.wait_indirect_dma semaphore(%arg10 : memref<!tpu.dma_semaphore, #tpu.memory_space<semaphore_mem>>) src(%dma_wait3A_40 : memref<10240x128xf32, #tpu.memory_space<hbm>>) dst(%arg7 : memref<128x128xf32, #tpu.memory_space<vmem>>)
    %dma_wait3A_41 = arith.constant 39 : i32
    %dma_wait3A_42 = arith.constant 0 : i32
    %dma_wait3A_43 = tpu.memref_slice %arg5[%dma_wait3A_41, %dma_wait3A_42] : memref<40x128xi32, #tpu.memory_space<vmem>> -> memref<1x128xi32, #tpu.memory_space<vmem>>
    %dma_wait3A_44 = tpu.memref_squeeze %dma_wait3A_43 : memref<1x128xi32, #tpu.memory_space<vmem>> -> memref<128xi32, #tpu.memory_space<vmem>>
    %dma_wait3A_45 = arith.constant 0 : i32
    %dma_wait3A_46 = arith.constant 0 : i32
    %dma_wait3A_47 = tpu.memref_slice %arg3[%dma_wait3A_45, %dma_wait3A_46] : memref<10240x128xf32, #tpu.memory_space<hbm>> -> memref<10240x128xf32, #tpu.memory_space<hbm>>
    tpu.wait_indirect_dma semaphore(%arg11 : memref<!tpu.dma_semaphore, #tpu.memory_space<semaphore_mem>>) src(%dma_wait3A_47 : memref<10240x128xf32, #tpu.memory_space<hbm>>) dst(%arg8 : memref<128x128xf32, #tpu.memory_space<vmem>>)
    %run_scoped3A_48 = arith.constant 0 : i32
    "tpu.region"() ({
      %run_scoped3A_85 = tpu.sem_alloc : memref<!tpu.dma_semaphore, #tpu.memory_space<semaphore_mem>>
      %dma_start3A_86 = arith.constant 40 : i32
      %dma_start3A_87 = arith.constant 0 : i32
      %dma_start3A_88 = tpu.memref_slice %arg2[%run_scoped3A_48, %arg0, %arg1, %dma_start3A_86, %dma_start3A_87] : memref<2x2x16x80x128xi32, #tpu.memory_space<hbm>> -> memref<1x1x1x40x128xi32, #tpu.memory_space<hbm>>
      %dma_start3A_89 = tpu.memref_squeeze %dma_start3A_88 : memref<1x1x1x40x128xi32, #tpu.memory_space<hbm>> -> memref<40x128xi32, #tpu.memory_space<hbm>>
      %dma_start3A_90 = arith.constant 40 : i32
      %dma_start3A_91 = arith.constant 0 : i32
      %dma_start3A_92 = tpu.memref_slice %arg2[%run_scoped3A_48, %arg0, %arg1, %dma_start3A_90, %dma_start3A_91] : memref<2x2x16x80x128xi32, #tpu.memory_space<hbm>> -> memref<1x1x1x40x128xi32, #tpu.memory_space<hbm>>
      %dma_start3A_93 = tpu.memref_squeeze %dma_start3A_92 : memref<1x1x1x40x128xi32, #tpu.memory_space<hbm>> -> memref<40x128xi32, #tpu.memory_space<hbm>>
      tpu.enqueue_dma source(%dma_start3A_93 : memref<40x128xi32, #tpu.memory_space<hbm>>) target(%arg5 : memref<40x128xi32, #tpu.memory_space<vmem>>) target_semaphore(%run_scoped3A_85 : memref<!tpu.dma_semaphore, #tpu.memory_space<semaphore_mem>>)
      %dma_wait3A_94 = arith.constant 40 : i32
      %dma_wait3A_95 = arith.constant 0 : i32
      %dma_wait3A_96 = tpu.memref_slice %arg2[%run_scoped3A_48, %arg0, %arg1, %dma_wait3A_94, %dma_wait3A_95] : memref<2x2x16x80x128xi32, #tpu.memory_space<hbm>> -> memref<1x1x1x40x128xi32, #tpu.memory_space<hbm>>
      %dma_wait3A_97 = tpu.memref_squeeze %dma_wait3A_96 : memref<1x1x1x40x128xi32, #tpu.memory_space<hbm>> -> memref<40x128xi32, #tpu.memory_space<hbm>>
      %dma_wait3A_98 = arith.constant 40 : i32
      %dma_wait3A_99 = arith.constant 0 : i32
      %dma_wait3A_100 = tpu.memref_slice %arg2[%run_scoped3A_48, %arg0, %arg1, %dma_wait3A_98, %dma_wait3A_99] : memref<2x2x16x80x128xi32, #tpu.memory_space<hbm>> -> memref<1x1x1x40x128xi32, #tpu.memory_space<hbm>>
      %dma_wait3A_101 = tpu.memref_squeeze %dma_wait3A_100 : memref<1x1x1x40x128xi32, #tpu.memory_space<hbm>> -> memref<40x128xi32, #tpu.memory_space<hbm>>
      tpu.wait_dma2 semaphore(%run_scoped3A_85 : memref<!tpu.dma_semaphore, #tpu.memory_space<semaphore_mem>>) src(%dma_wait3A_101 : memref<40x128xi32, #tpu.memory_space<hbm>>) dst(%arg5 : memref<40x128xi32, #tpu.memory_space<vmem>>)
      tpu.yield
    }) : () -> ()
    %run_scoped3A_49 = arith.constant 1 : i32
    "tpu.region"() ({
      %run_scoped3A_85 = tpu.sem_alloc : memref<!tpu.dma_semaphore, #tpu.memory_space<semaphore_mem>>
      %dma_start3A_86 = arith.constant 40 : i32
      %dma_start3A_87 = arith.constant 0 : i32
      %dma_start3A_88 = tpu.memref_slice %arg2[%run_scoped3A_49, %arg0, %arg1, %dma_start3A_86, %dma_start3A_87] : memref<2x2x16x80x128xi32, #tpu.memory_space<hbm>> -> memref<1x1x1x40x128xi32, #tpu.memory_space<hbm>>
      %dma_start3A_89 = tpu.memref_squeeze %dma_start3A_88 : memref<1x1x1x40x128xi32, #tpu.memory_space<hbm>> -> memref<40x128xi32, #tpu.memory_space<hbm>>
      %dma_start3A_90 = arith.constant 40 : i32
      %dma_start3A_91 = arith.constant 0 : i32
      %dma_start3A_92 = tpu.memref_slice %arg2[%run_scoped3A_49, %arg0, %arg1, %dma_start3A_90, %dma_start3A_91] : memref<2x2x16x80x128xi32, #tpu.memory_space<hbm>> -> memref<1x1x1x40x128xi32, #tpu.memory_space<hbm>>
      %dma_start3A_93 = tpu.memref_squeeze %dma_start3A_92 : memref<1x1x1x40x128xi32, #tpu.memory_space<hbm>> -> memref<40x128xi32, #tpu.memory_space<hbm>>
      tpu.enqueue_dma source(%dma_start3A_93 : memref<40x128xi32, #tpu.memory_space<hbm>>) target(%arg6 : memref<40x128xi32, #tpu.memory_space<vmem>>) target_semaphore(%run_scoped3A_85 : memref<!tpu.dma_semaphore, #tpu.memory_space<semaphore_mem>>)
      %dma_wait3A_94 = arith.constant 40 : i32
      %dma_wait3A_95 = arith.constant 0 : i32
      %dma_wait3A_96 = tpu.memref_slice %arg2[%run_scoped3A_49, %arg0, %arg1, %dma_wait3A_94, %dma_wait3A_95] : memref<2x2x16x80x128xi32, #tpu.memory_space<hbm>> -> memref<1x1x1x40x128xi32, #tpu.memory_space<hbm>>
      %dma_wait3A_97 = tpu.memref_squeeze %dma_wait3A_96 : memref<1x1x1x40x128xi32, #tpu.memory_space<hbm>> -> memref<40x128xi32, #tpu.memory_space<hbm>>
      %dma_wait3A_98 = arith.constant 40 : i32
      %dma_wait3A_99 = arith.constant 0 : i32
      %dma_wait3A_100 = tpu.memref_slice %arg2[%run_scoped3A_49, %arg0, %arg1, %dma_wait3A_98, %dma_wait3A_99] : memref<2x2x16x80x128xi32, #tpu.memory_space<hbm>> -> memref<1x1x1x40x128xi32, #tpu.memory_space<hbm>>
      %dma_wait3A_101 = tpu.memref_squeeze %dma_wait3A_100 : memref<1x1x1x40x128xi32, #tpu.memory_space<hbm>> -> memref<40x128xi32, #tpu.memory_space<hbm>>
      tpu.wait_dma2 semaphore(%run_scoped3A_85 : memref<!tpu.dma_semaphore, #tpu.memory_space<semaphore_mem>>) src(%dma_wait3A_101 : memref<40x128xi32, #tpu.memory_space<hbm>>) dst(%arg6 : memref<40x128xi32, #tpu.memory_space<vmem>>)
      tpu.yield
    }) : () -> ()
    %dma_start3A_50 = arith.constant 0 : i32
    %dma_start3A_51 = arith.constant 0 : i32
    %dma_start3A_52 = tpu.memref_slice %arg5[%dma_start3A_50, %dma_start3A_51] : memref<40x128xi32, #tpu.memory_space<vmem>> -> memref<1x128xi32, #tpu.memory_space<vmem>>
    %dma_start3A_53 = tpu.memref_squeeze %dma_start3A_52 : memref<1x128xi32, #tpu.memory_space<vmem>> -> memref<128xi32, #tpu.memory_space<vmem>>
    %dma_start3A_54 = arith.constant 0 : i32
    %dma_start3A_55 = arith.constant 0 : i32
    %dma_start3A_56 = tpu.memref_slice %arg3[%dma_start3A_54, %dma_start3A_55] : memref<10240x128xf32, #tpu.memory_space<hbm>> -> memref<10240x128xf32, #tpu.memory_space<hbm>>
    tpu.enqueue_indirect_dma source(%dma_start3A_56 : memref<10240x128xf32, #tpu.memory_space<hbm>>) target(%arg7 : memref<128x128xf32, #tpu.memory_space<vmem>>) offsets(%dma_start3A_53 : memref<128xi32, #tpu.memory_space<vmem>>) semaphore(%arg10 : memref<!tpu.dma_semaphore, #tpu.memory_space<semaphore_mem>>)
    %dma_start3A_57 = arith.constant 1 : i32
    %dma_start3A_58 = arith.constant 0 : i32
    %dma_start3A_59 = tpu.memref_slice %arg5[%dma_start3A_57, %dma_start3A_58] : memref<40x128xi32, #tpu.memory_space<vmem>> -> memref<1x128xi32, #tpu.memory_space<vmem>>
    %dma_start3A_60 = tpu.memref_squeeze %dma_start3A_59 : memref<1x128xi32, #tpu.memory_space<vmem>> -> memref<128xi32, #tpu.memory_space<vmem>>
    %dma_start3A_61 = arith.constant 0 : i32
    %dma_start3A_62 = arith.constant 0 : i32
    %dma_start3A_63 = tpu.memref_slice %arg3[%dma_start3A_61, %dma_start3A_62] : memref<10240x128xf32, #tpu.memory_space<hbm>> -> memref<10240x128xf32, #tpu.memory_space<hbm>>
    tpu.enqueue_indirect_dma source(%dma_start3A_63 : memref<10240x128xf32, #tpu.memory_space<hbm>>) target(%arg8 : memref<128x128xf32, #tpu.memory_space<vmem>>) offsets(%dma_start3A_60 : memref<128xi32, #tpu.memory_space<vmem>>) semaphore(%arg11 : memref<!tpu.dma_semaphore, #tpu.memory_space<semaphore_mem>>)
    %scan3A_64 = arith.constant 0 : i32
    %scan3A_65 = arith.constant 0 : i32
    %scan3A_66 = arith.constant 20 : i32
    %scan3A_67 = arith.addi %scan3A_65, %scan3A_66 : i32
    %scan3A_68 = arith.constant 1 : i32
    scf.for %scan3A_85 = %scan3A_65 to %scan3A_67 step %scan3A_68  : i32 {
      %mul3A_86 = arith.constant 2 : i32
      %mul3A_87 = arith.muli %mul3A_86, %scan3A_85 : i32
      %add3A_88 = arith.constant 0 : i32
      %add3A_89 = arith.addi %mul3A_87, %add3A_88 : i32
      %dma_wait3A_90 = arith.constant 0 : i32
      %dma_wait3A_91 = tpu.memref_slice %arg5[%add3A_89, %dma_wait3A_90] : memref<40x128xi32, #tpu.memory_space<vmem>> -> memref<1x128xi32, #tpu.memory_space<vmem>>
      %dma_wait3A_92 = tpu.memref_squeeze %dma_wait3A_91 : memref<1x128xi32, #tpu.memory_space<vmem>> -> memref<128xi32, #tpu.memory_space<vmem>>
      %dma_wait3A_93 = arith.constant 0 : i32
      %dma_wait3A_94 = arith.constant 0 : i32
      %dma_wait3A_95 = tpu.memref_slice %arg3[%dma_wait3A_93, %dma_wait3A_94] : memref<10240x128xf32, #tpu.memory_space<hbm>> -> memref<10240x128xf32, #tpu.memory_space<hbm>>
      tpu.wait_indirect_dma semaphore(%arg10 : memref<!tpu.dma_semaphore, #tpu.memory_space<semaphore_mem>>) src(%dma_wait3A_95 : memref<10240x128xf32, #tpu.memory_space<hbm>>) dst(%arg7 : memref<128x128xf32, #tpu.memory_space<vmem>>)
      %dma_start3A_96 = arith.constant 0 : i32
      %dma_start3A_97 = tpu.memref_slice %arg6[%add3A_89, %dma_start3A_96] : memref<40x128xi32, #tpu.memory_space<vmem>> -> memref<1x128xi32, #tpu.memory_space<vmem>>
      %dma_start3A_98 = tpu.memref_squeeze %dma_start3A_97 : memref<1x128xi32, #tpu.memory_space<vmem>> -> memref<128xi32, #tpu.memory_space<vmem>>
      %dma_start3A_99 = arith.constant 0 : i32
      %dma_start3A_100 = arith.constant 0 : i32
      %dma_start3A_101 = tpu.memref_slice %arg9[%dma_start3A_99, %dma_start3A_100] : memref<10240x128xf32, #tpu.memory_space<vmem_shared>> -> memref<10240x128xf32, #tpu.memory_space<vmem_shared>>
      tpu.enqueue_indirect_dma source(%arg7 : memref<128x128xf32, #tpu.memory_space<vmem>>) target(%dma_start3A_101 : memref<10240x128xf32, #tpu.memory_space<vmem_shared>>) offsets(%dma_start3A_98 : memref<128xi32, #tpu.memory_space<vmem>>) semaphore(%arg12 : memref<!tpu.dma_semaphore, #tpu.memory_space<semaphore_mem>>) {add = true}
      %dma_wait3A_102 = arith.constant 0 : i32
      %dma_wait3A_103 = tpu.memref_slice %arg6[%add3A_89, %dma_wait3A_102] : memref<40x128xi32, #tpu.memory_space<vmem>> -> memref<1x128xi32, #tpu.memory_space<vmem>>
      %dma_wait3A_104 = tpu.memref_squeeze %dma_wait3A_103 : memref<1x128xi32, #tpu.memory_space<vmem>> -> memref<128xi32, #tpu.memory_space<vmem>>
      %dma_wait3A_105 = arith.constant 0 : i32
      %dma_wait3A_106 = arith.constant 0 : i32
      %dma_wait3A_107 = tpu.memref_slice %arg9[%dma_wait3A_105, %dma_wait3A_106] : memref<10240x128xf32, #tpu.memory_space<vmem_shared>> -> memref<10240x128xf32, #tpu.memory_space<vmem_shared>>
      tpu.wait_indirect_dma semaphore(%arg12 : memref<!tpu.dma_semaphore, #tpu.memory_space<semaphore_mem>>) src(%arg7 : memref<128x128xf32, #tpu.memory_space<vmem>>) dst(%dma_wait3A_107 : memref<10240x128xf32, #tpu.memory_space<vmem_shared>>)
      %add3A_108 = arith.constant 2 : i32
      %add3A_109 = arith.addi %add3A_89, %add3A_108 : i32
      %min3A = arith.constant 39 : i32
      %min3A_110 = arith.minsi %add3A_109, %min3A : i32
      %dma_start3A_111 = arith.constant 0 : i32
      %dma_start3A_112 = tpu.memref_slice %arg5[%min3A_110, %dma_start3A_111] : memref<40x128xi32, #tpu.memory_space<vmem>> -> memref<1x128xi32, #tpu.memory_space<vmem>>
      %dma_start3A_113 = tpu.memref_squeeze %dma_start3A_112 : memref<1x128xi32, #tpu.memory_space<vmem>> -> memref<128xi32, #tpu.memory_space<vmem>>
      %dma_start3A_114 = arith.constant 0 : i32
      %dma_start3A_115 = arith.constant 0 : i32
      %dma_start3A_116 = tpu.memref_slice %arg3[%dma_start3A_114, %dma_start3A_115] : memref<10240x128xf32, #tpu.memory_space<hbm>> -> memref<10240x128xf32, #tpu.memory_space<hbm>>
      tpu.enqueue_indirect_dma source(%dma_start3A_116 : memref<10240x128xf32, #tpu.memory_space<hbm>>) target(%arg7 : memref<128x128xf32, #tpu.memory_space<vmem>>) offsets(%dma_start3A_113 : memref<128xi32, #tpu.memory_space<vmem>>) semaphore(%arg10 : memref<!tpu.dma_semaphore, #tpu.memory_space<semaphore_mem>>)
      %mul3A_117 = arith.constant 2 : i32
      %mul3A_118 = arith.muli %mul3A_117, %scan3A_85 : i32
      %add3A_119 = arith.constant 1 : i32
      %add3A_120 = arith.addi %mul3A_118, %add3A_119 : i32
      %dma_wait3A_121 = arith.constant 0 : i32
      %dma_wait3A_122 = tpu.memref_slice %arg5[%add3A_120, %dma_wait3A_121] : memref<40x128xi32, #tpu.memory_space<vmem>> -> memref<1x128xi32, #tpu.memory_space<vmem>>
      %dma_wait3A_123 = tpu.memref_squeeze %dma_wait3A_122 : memref<1x128xi32, #tpu.memory_space<vmem>> -> memref<128xi32, #tpu.memory_space<vmem>>
      %dma_wait3A_124 = arith.constant 0 : i32
      %dma_wait3A_125 = arith.constant 0 : i32
      %dma_wait3A_126 = tpu.memref_slice %arg3[%dma_wait3A_124, %dma_wait3A_125] : memref<10240x128xf32, #tpu.memory_space<hbm>> -> memref<10240x128xf32, #tpu.memory_space<hbm>>
      tpu.wait_indirect_dma semaphore(%arg11 : memref<!tpu.dma_semaphore, #tpu.memory_space<semaphore_mem>>) src(%dma_wait3A_126 : memref<10240x128xf32, #tpu.memory_space<hbm>>) dst(%arg8 : memref<128x128xf32, #tpu.memory_space<vmem>>)
      %dma_start3A_127 = arith.constant 0 : i32
      %dma_start3A_128 = tpu.memref_slice %arg6[%add3A_120, %dma_start3A_127] : memref<40x128xi32, #tpu.memory_space<vmem>> -> memref<1x128xi32, #tpu.memory_space<vmem>>
      %dma_start3A_129 = tpu.memref_squeeze %dma_start3A_128 : memref<1x128xi32, #tpu.memory_space<vmem>> -> memref<128xi32, #tpu.memory_space<vmem>>
      %dma_start3A_130 = arith.constant 0 : i32
      %dma_start3A_131 = arith.constant 0 : i32
      %dma_start3A_132 = tpu.memref_slice %arg9[%dma_start3A_130, %dma_start3A_131] : memref<10240x128xf32, #tpu.memory_space<vmem_shared>> -> memref<10240x128xf32, #tpu.memory_space<vmem_shared>>
      tpu.enqueue_indirect_dma source(%arg8 : memref<128x128xf32, #tpu.memory_space<vmem>>) target(%dma_start3A_132 : memref<10240x128xf32, #tpu.memory_space<vmem_shared>>) offsets(%dma_start3A_129 : memref<128xi32, #tpu.memory_space<vmem>>) semaphore(%arg13 : memref<!tpu.dma_semaphore, #tpu.memory_space<semaphore_mem>>) {add = true}
      %dma_wait3A_133 = arith.constant 0 : i32
      %dma_wait3A_134 = tpu.memref_slice %arg6[%add3A_120, %dma_wait3A_133] : memref<40x128xi32, #tpu.memory_space<vmem>> -> memref<1x128xi32, #tpu.memory_space<vmem>>
      %dma_wait3A_135 = tpu.memref_squeeze %dma_wait3A_134 : memref<1x128xi32, #tpu.memory_space<vmem>> -> memref<128xi32, #tpu.memory_space<vmem>>
      %dma_wait3A_136 = arith.constant 0 : i32
      %dma_wait3A_137 = arith.constant 0 : i32
      %dma_wait3A_138 = tpu.memref_slice %arg9[%dma_wait3A_136, %dma_wait3A_137] : memref<10240x128xf32, #tpu.memory_space<vmem_shared>> -> memref<10240x128xf32, #tpu.memory_space<vmem_shared>>
      tpu.wait_indirect_dma semaphore(%arg13 : memref<!tpu.dma_semaphore, #tpu.memory_space<semaphore_mem>>) src(%arg8 : memref<128x128xf32, #tpu.memory_space<vmem>>) dst(%dma_wait3A_138 : memref<10240x128xf32, #tpu.memory_space<vmem_shared>>)
      %add3A_139 = arith.constant 2 : i32
      %add3A_140 = arith.addi %add3A_120, %add3A_139 : i32
      %min3A_141 = arith.constant 39 : i32
      %min3A_142 = arith.minsi %add3A_140, %min3A_141 : i32
      %dma_start3A_143 = arith.constant 0 : i32
      %dma_start3A_144 = tpu.memref_slice %arg5[%min3A_142, %dma_start3A_143] : memref<40x128xi32, #tpu.memory_space<vmem>> -> memref<1x128xi32, #tpu.memory_space<vmem>>
      %dma_start3A_145 = tpu.memref_squeeze %dma_start3A_144 : memref<1x128xi32, #tpu.memory_space<vmem>> -> memref<128xi32, #tpu.memory_space<vmem>>
      %dma_start3A_146 = arith.constant 0 : i32
      %dma_start3A_147 = arith.constant 0 : i32
      %dma_start3A_148 = tpu.memref_slice %arg3[%dma_start3A_146, %dma_start3A_147] : memref<10240x128xf32, #tpu.memory_space<hbm>> -> memref<10240x128xf32, #tpu.memory_space<hbm>>
      tpu.enqueue_indirect_dma source(%dma_start3A_148 : memref<10240x128xf32, #tpu.memory_space<hbm>>) target(%arg8 : memref<128x128xf32, #tpu.memory_space<vmem>>) offsets(%dma_start3A_145 : memref<128xi32, #tpu.memory_space<vmem>>) semaphore(%arg11 : memref<!tpu.dma_semaphore, #tpu.memory_space<semaphore_mem>>)
    }
    %scan3A_69 = arith.constant 20 : i32
    %dma_wait3A_70 = arith.constant 39 : i32
    %dma_wait3A_71 = arith.constant 0 : i32
    %dma_wait3A_72 = tpu.memref_slice %arg5[%dma_wait3A_70, %dma_wait3A_71] : memref<40x128xi32, #tpu.memory_space<vmem>> -> memref<1x128xi32, #tpu.memory_space<vmem>>
    %dma_wait3A_73 = tpu.memref_squeeze %dma_wait3A_72 : memref<1x128xi32, #tpu.memory_space<vmem>> -> memref<128xi32, #tpu.memory_space<vmem>>
    %dma_wait3A_74 = arith.constant 0 : i32
    %dma_wait3A_75 = arith.constant 0 : i32
    %dma_wait3A_76 = tpu.memref_slice %arg3[%dma_wait3A_74, %dma_wait3A_75] : memref<10240x128xf32, #tpu.memory_space<hbm>> -> memref<10240x128xf32, #tpu.memory_space<hbm>>
    tpu.wait_indirect_dma semaphore(%arg10 : memref<!tpu.dma_semaphore, #tpu.memory_space<semaphore_mem>>) src(%dma_wait3A_76 : memref<10240x128xf32, #tpu.memory_space<hbm>>) dst(%arg7 : memref<128x128xf32, #tpu.memory_space<vmem>>)
    %dma_wait3A_77 = arith.constant 39 : i32
    %dma_wait3A_78 = arith.constant 0 : i32
    %dma_wait3A_79 = tpu.memref_slice %arg5[%dma_wait3A_77, %dma_wait3A_78] : memref<40x128xi32, #tpu.memory_space<vmem>> -> memref<1x128xi32, #tpu.memory_space<vmem>>
    %dma_wait3A_80 = tpu.memref_squeeze %dma_wait3A_79 : memref<1x128xi32, #tpu.memory_space<vmem>> -> memref<128xi32, #tpu.memory_space<vmem>>
    %dma_wait3A_81 = arith.constant 0 : i32
    %dma_wait3A_82 = arith.constant 0 : i32
    %dma_wait3A_83 = tpu.memref_slice %arg3[%dma_wait3A_81, %dma_wait3A_82] : memref<10240x128xf32, #tpu.memory_space<hbm>> -> memref<10240x128xf32, #tpu.memory_space<hbm>>
    tpu.wait_indirect_dma semaphore(%arg11 : memref<!tpu.dma_semaphore, #tpu.memory_space<semaphore_mem>>) src(%dma_wait3A_83 : memref<10240x128xf32, #tpu.memory_space<hbm>>) dst(%arg8 : memref<128x128xf32, #tpu.memory_space<vmem>>)
    %barrier3A_84 = arith.constant 0 : index
    tpu.barrier barrier_id(%barrier3A_84)
    "tpu.region"() ({
      %run_scoped3A_85 = tpu.sem_alloc : memref<!tpu.dma_semaphore, #tpu.memory_space<semaphore_mem>>
      %dma_start3A_86 = arith.constant 0 : i32
      %dma_start3A_87 = tpu.memref_slice %arg4[%arg0, %mul3A_12, %dma_start3A_86] : memref<2x10240x128xf32, #tpu.memory_space<hbm>> -> memref<1x640x128xf32, #tpu.memory_space<hbm>>
      %dma_start3A_88 = tpu.memref_squeeze %dma_start3A_87 : memref<1x640x128xf32, #tpu.memory_space<hbm>> -> memref<640x128xf32, #tpu.memory_space<hbm>>
      %dma_start3A_89 = arith.constant 0 : i32
      %dma_start3A_90 = tpu.memref_slice %arg9[%mul3A_12, %dma_start3A_89] : memref<10240x128xf32, #tpu.memory_space<vmem_shared>> -> memref<640x128xf32, #tpu.memory_space<vmem_shared>>
      tpu.enqueue_dma source(%dma_start3A_90 : memref<640x128xf32, #tpu.memory_space<vmem_shared>>) target(%dma_start3A_88 : memref<640x128xf32, #tpu.memory_space<hbm>>) target_semaphore(%run_scoped3A_85 : memref<!tpu.dma_semaphore, #tpu.memory_space<semaphore_mem>>)
      %dma_wait3A_91 = arith.constant 0 : i32
      %dma_wait3A_92 = tpu.memref_slice %arg4[%arg0, %mul3A_12, %dma_wait3A_91] : memref<2x10240x128xf32, #tpu.memory_space<hbm>> -> memref<1x640x128xf32, #tpu.memory_space<hbm>>
      %dma_wait3A_93 = tpu.memref_squeeze %dma_wait3A_92 : memref<1x640x128xf32, #tpu.memory_space<hbm>> -> memref<640x128xf32, #tpu.memory_space<hbm>>
      %dma_wait3A_94 = arith.constant 0 : i32
      %dma_wait3A_95 = tpu.memref_slice %arg9[%mul3A_12, %dma_wait3A_94] : memref<10240x128xf32, #tpu.memory_space<vmem_shared>> -> memref<640x128xf32, #tpu.memory_space<vmem_shared>>
      tpu.wait_dma2 semaphore(%run_scoped3A_85 : memref<!tpu.dma_semaphore, #tpu.memory_space<semaphore_mem>>) src(%dma_wait3A_95 : memref<640x128xf32, #tpu.memory_space<vmem_shared>>) dst(%dma_wait3A_93 : memref<640x128xf32, #tpu.memory_space<hbm>>)
      tpu.yield
    }) : () -> ()
    return
  }
}

module attributes {stable_mosaic.version = 14 : i64} {
  func.func @_matmul_body(%arg0: i32, %arg1: memref<2000x128xf32, #tpu.memory_space<vmem>>, %arg2: memref<128x128xf32, #tpu.memory_space<vmem>>, %arg3: memref<2000x128xf32, #tpu.memory_space<vmem>>) attributes {dimension_semantics = [#tpu.dimension_semantics<arbitrary>], iteration_bounds = array<i64: 5>, scalar_prefetch = 0 : i64, scratch_operands = 0 : i64, tpu.core_type = #tpu.core_type<tc>, window_params = [{transform_indices = @transform_0, window_bounds = array<i64: 2000, 128>}, {pipeline_mode = #tpu.pipeline_mode<synchronous>, transform_indices = @transform_1, window_bounds = array<i64: 128, 128>}, {transform_indices = @transform_2, window_bounds = array<i64: 2000, 128>}]} {
    %get3A = arith.constant 0 : index
    %get3A_0 = arith.constant 0 : index
    %get3A_1 = vector.load %arg1[%get3A, %get3A_0] : memref<2000x128xf32, #tpu.memory_space<vmem>>, vector<2000x128xf32>
    %get3A_2 = arith.constant 0 : index
    %get3A_3 = arith.constant 0 : index
    %get3A_4 = vector.load %arg2[%get3A_2, %get3A_3] : memref<128x128xf32, #tpu.memory_space<vmem>>, vector<128x128xf32>
    %dot_general3A = arith.constant dense<0.000000e+00> : vector<2000x128xf32>
    %dot_general3A_5 = tpu.matmul %get3A_1, %get3A_4, %dot_general3A {dimension_numbers = #tpu.dot_dimension_numbers<[1], [0], [0], [1], [0, 0, 1, 1], [], []>, transpose_lhs_hint = false} : vector<2000x128xf32>, vector<128x128xf32>, vector<2000x128xf32> -> vector<2000x128xf32>
    %swap3A = arith.constant 0 : index
    %swap3A_6 = arith.constant 0 : index
    %swap3A_7 = vector.load %arg3[%swap3A, %swap3A_6] : memref<2000x128xf32, #tpu.memory_space<vmem>>, vector<2000x128xf32>
    tpu.vector_store %arg3[%swap3A, %swap3A_6], %dot_general3A_5 {strides = array<i32>} : memref<2000x128xf32, #tpu.memory_space<vmem>>, vector<2000x128xf32>,
    return
  }
  func.func @transform_0(%arg0: i32) -> (i32, i32) {
    %c0_i32 = arith.constant 0 : i32
    %c0_i32_0 = arith.constant 0 : i32
    return %arg0, %c0_i32 : i32, i32
  }
  func.func @transform_1(%arg0: i32) -> (i32, i32) {
    %c0_i32 = arith.constant 0 : i32
    %c0_i32_0 = arith.constant 0 : i32
    %c0_i32_1 = arith.constant 0 : i32
    return %c0_i32, %c0_i32_0 : i32, i32
  }
  func.func @transform_2(%arg0: i32) -> (i32, i32) {
    %c0_i32 = arith.constant 0 : i32
    %c0_i32_0 = arith.constant 0 : i32
    return %arg0, %c0_i32 : i32, i32
  }
}

module attributes {stable_mosaic.version = 14 : i64} {
  func.func @_scale_body(%arg0: i32, %arg1: memref<2048x128xf32, #tpu.memory_space<vmem>>, %arg2: memref<2x2048x16xf32, #tpu.memory_space<vmem>>, %arg3: memref<2048x128xf32, #tpu.memory_space<vmem>>, %arg4: memref<2048x1xf32, #tpu.memory_space<vmem>>) attributes {dimension_semantics = [#tpu.dimension_semantics<arbitrary>], iteration_bounds = array<i64: 5>, scalar_prefetch = 0 : i64, scratch_operands = 0 : i64, tpu.core_type = #tpu.core_type<tc>, window_params = [{transform_indices = @transform_0, window_bounds = array<i64: 2048, 128>}, {transform_indices = @transform_1, window_bounds = array<i64: 2, 2048, 16>}, {transform_indices = @transform_2, window_bounds = array<i64: 2048, 128>}, {transform_indices = @transform_3, window_bounds = array<i64: 2048, 1>}]} {
    %get3A = arith.constant 0 : index
    %get3A_0 = arith.constant 0 : index
    %get3A_1 = arith.constant 0 : index
    %get3A_2 = vector.load %arg2[%get3A, %get3A_0, %get3A_1] : memref<2x2048x16xf32, #tpu.memory_space<vmem>>, vector<1x2048x16xf32>
    %get3A_3 = vector.shape_cast %get3A_2 : vector<1x2048x16xf32> to vector<2048x16xf32>
    %get3A_4 = arith.constant 1 : index
    %get3A_5 = arith.constant 0 : index
    %get3A_6 = arith.constant 0 : index
    %get3A_7 = vector.load %arg2[%get3A_4, %get3A_5, %get3A_6] : memref<2x2048x16xf32, #tpu.memory_space<vmem>>, vector<1x2048x16xf32>
    %get3A_8 = vector.shape_cast %get3A_7 : vector<1x2048x16xf32> to vector<2048x16xf32>
    %add3A = arith.addf %get3A_3, %get3A_8 : vector<2048x16xf32>
    %add3A_9 = arith.constant 1.000000e+00 : f32
    %add3A_10 = vector.broadcast %add3A_9 : f32 to vector<2048x16xf32>
    %add3A_11 = arith.addf %add3A, %add3A_10 : vector<2048x16xf32>
    %rsqrt3A = math.rsqrt %add3A_11 : vector<2048x16xf32>
    %slice3A = vector.extract_strided_slice %rsqrt3A {offsets = [0, 0], sizes = [2048, 1], strides = [1, 1]} : vector<2048x16xf32> to vector<2048x1xf32>
    %get3A_12 = arith.constant 0 : index
    %get3A_13 = arith.constant 0 : index
    %get3A_14 = vector.load %arg1[%get3A_12, %get3A_13] : memref<2048x128xf32, #tpu.memory_space<vmem>>, vector<2048x128xf32>
    %mul3A = vector.broadcast %slice3A : vector<2048x1xf32> to vector<2048x128xf32>
    %mul3A_15 = arith.mulf %get3A_14, %mul3A : vector<2048x128xf32>
    %swap3A = arith.constant 0 : index
    %swap3A_16 = arith.constant 0 : index
    %swap3A_17 = vector.load %arg3[%swap3A, %swap3A_16] : memref<2048x128xf32, #tpu.memory_space<vmem>>, vector<2048x128xf32>
    tpu.vector_store %arg3[%swap3A, %swap3A_16], %mul3A_15 {strides = array<i32>} : memref<2048x128xf32, #tpu.memory_space<vmem>>, vector<2048x128xf32>,
    %swap3A_18 = arith.constant 0 : index
    %swap3A_19 = arith.constant 0 : index
    %swap3A_20 = vector.load %arg4[%swap3A_18, %swap3A_19] : memref<2048x1xf32, #tpu.memory_space<vmem>>, vector<2048x1xf32>
    tpu.vector_store %arg4[%swap3A_18, %swap3A_19], %slice3A {strides = array<i32>} : memref<2048x1xf32, #tpu.memory_space<vmem>>, vector<2048x1xf32>,
    return
  }
  func.func @transform_0(%arg0: i32) -> (i32, i32) {
    %c0_i32 = arith.constant 0 : i32
    %c0_i32_0 = arith.constant 0 : i32
    return %arg0, %c0_i32 : i32, i32
  }
  func.func @transform_1(%arg0: i32) -> (i32, i32, i32) {
    %c0_i32 = arith.constant 0 : i32
    %c0_i32_0 = arith.constant 0 : i32
    %c0_i32_1 = arith.constant 0 : i32
    return %c0_i32, %arg0, %c0_i32_0 : i32, i32, i32
  }
  func.func @transform_2(%arg0: i32) -> (i32, i32) {
    %c0_i32 = arith.constant 0 : i32
    %c0_i32_0 = arith.constant 0 : i32
    return %arg0, %c0_i32 : i32, i32
  }
  func.func @transform_3(%arg0: i32) -> (i32, i32) {
    %c0_i32 = arith.constant 0 : i32
    %c0_i32_0 = arith.constant 0 : i32
    return %arg0, %c0_i32 : i32, i32
  }
}

module attributes {stable_mosaic.version = 14 : i64} {
  func.func @_finish_body(%arg0: i32, %arg1: memref<2x2000x128xf32, #tpu.memory_space<vmem>>, %arg2: memref<2000x128xf32, #tpu.memory_space<vmem>>, %arg3: memref<2000x1xf32, #tpu.memory_space<vmem>>, %arg4: memref<1x128xf32, #tpu.memory_space<vmem>>, %arg5: memref<1x128xf32, #tpu.memory_space<vmem>>, %arg6: memref<2000x128xf32, #tpu.memory_space<vmem>>) attributes {dimension_semantics = [#tpu.dimension_semantics<arbitrary>], iteration_bounds = array<i64: 5>, scalar_prefetch = 0 : i64, scratch_operands = 0 : i64, tpu.core_type = #tpu.core_type<tc>, window_params = [{transform_indices = @transform_0, window_bounds = array<i64: 2, 2000, 128>}, {transform_indices = @transform_1, window_bounds = array<i64: 2000, 128>}, {transform_indices = @transform_2, window_bounds = array<i64: 2000, 1>}, {pipeline_mode = #tpu.pipeline_mode<synchronous>, transform_indices = @transform_3, window_bounds = array<i64: 1, 128>}, {pipeline_mode = #tpu.pipeline_mode<synchronous>, transform_indices = @transform_4, window_bounds = array<i64: 1, 128>}, {transform_indices = @transform_5, window_bounds = array<i64: 2000, 128>}]} {
    %get3A = arith.constant 0 : index
    %get3A_0 = arith.constant 0 : index
    %get3A_1 = arith.constant 0 : index
    %get3A_2 = vector.load %arg1[%get3A, %get3A_0, %get3A_1] : memref<2x2000x128xf32, #tpu.memory_space<vmem>>, vector<1x2000x128xf32>
    %get3A_3 = vector.shape_cast %get3A_2 : vector<1x2000x128xf32> to vector<2000x128xf32>
    %get3A_4 = arith.constant 1 : index
    %get3A_5 = arith.constant 0 : index
    %get3A_6 = arith.constant 0 : index
    %get3A_7 = vector.load %arg1[%get3A_4, %get3A_5, %get3A_6] : memref<2x2000x128xf32, #tpu.memory_space<vmem>>, vector<1x2000x128xf32>
    %get3A_8 = vector.shape_cast %get3A_7 : vector<1x2000x128xf32> to vector<2000x128xf32>
    %add3A = arith.addf %get3A_3, %get3A_8 : vector<2000x128xf32>
    %get3A_9 = arith.constant 0 : index
    %get3A_10 = arith.constant 0 : index
    %get3A_11 = vector.load %arg2[%get3A_9, %get3A_10] : memref<2000x128xf32, #tpu.memory_space<vmem>>, vector<2000x128xf32>
    %add3A_12 = arith.addf %add3A, %get3A_11 : vector<2000x128xf32>
    %get3A_13 = arith.constant 0 : index
    %get3A_14 = arith.constant 0 : index
    %get3A_15 = vector.load %arg3[%get3A_13, %get3A_14] : memref<2000x1xf32, #tpu.memory_space<vmem>>, vector<2000x1xf32>
    %mul3A = vector.broadcast %get3A_15 : vector<2000x1xf32> to vector<2000x128xf32>
    %mul3A_16 = arith.mulf %add3A_12, %mul3A : vector<2000x128xf32>
    %get3A_17 = arith.constant 0 : index
    %get3A_18 = arith.constant 0 : index
    %get3A_19 = vector.load %arg4[%get3A_17, %get3A_18] : memref<1x128xf32, #tpu.memory_space<vmem>>, vector<1x128xf32>
    %add3A_20 = vector.broadcast %get3A_19 : vector<1x128xf32> to vector<2000x128xf32>
    %add3A_21 = arith.addf %mul3A_16, %add3A_20 : vector<2000x128xf32>
    %ge3A = arith.constant 0.000000e+00 : f32
    %ge3A_22 = vector.broadcast %ge3A : f32 to vector<2000x128xf32>
    %ge3A_23 = arith.cmpf oge, %add3A_21, %ge3A_22 : vector<2000x128xf32>
    %get3A_24 = arith.constant 0 : index
    %get3A_25 = arith.constant 0 : index
    %get3A_26 = vector.load %arg5[%get3A_24, %get3A_25] : memref<1x128xf32, #tpu.memory_space<vmem>>, vector<1x128xf32>
    %mul3A_27 = vector.broadcast %get3A_26 : vector<1x128xf32> to vector<2000x128xf32>
    %mul3A_28 = arith.mulf %mul3A_27, %add3A_21 : vector<2000x128xf32>
    %select_n3A = arith.select %ge3A_23, %add3A_21, %mul3A_28 : vector<2000x128xi1>, vector<2000x128xf32>
    %swap3A = arith.constant 0 : index
    %swap3A_29 = arith.constant 0 : index
    %swap3A_30 = vector.load %arg6[%swap3A, %swap3A_29] : memref<2000x128xf32, #tpu.memory_space<vmem>>, vector<2000x128xf32>
    tpu.vector_store %arg6[%swap3A, %swap3A_29], %select_n3A {strides = array<i32>} : memref<2000x128xf32, #tpu.memory_space<vmem>>, vector<2000x128xf32>,
    return
  }
  func.func @transform_0(%arg0: i32) -> (i32, i32, i32) {
    %c0_i32 = arith.constant 0 : i32
    %c0_i32_0 = arith.constant 0 : i32
    %c0_i32_1 = arith.constant 0 : i32
    return %c0_i32, %arg0, %c0_i32_0 : i32, i32, i32
  }
  func.func @transform_1(%arg0: i32) -> (i32, i32) {
    %c0_i32 = arith.constant 0 : i32
    %c0_i32_0 = arith.constant 0 : i32
    return %arg0, %c0_i32 : i32, i32
  }
  func.func @transform_2(%arg0: i32) -> (i32, i32) {
    %c0_i32 = arith.constant 0 : i32
    %c0_i32_0 = arith.constant 0 : i32
    return %arg0, %c0_i32 : i32, i32
  }
  func.func @transform_3(%arg0: i32) -> (i32, i32) {
    %c0_i32 = arith.constant 0 : i32
    %c0_i32_0 = arith.constant 0 : i32
    %c0_i32_1 = arith.constant 0 : i32
    return %c0_i32, %c0_i32_0 : i32, i32
  }
  func.func @transform_4(%arg0: i32) -> (i32, i32) {
    %c0_i32 = arith.constant 0 : i32
    %c0_i32_0 = arith.constant 0 : i32
    %c0_i32_1 = arith.constant 0 : i32
    return %c0_i32, %c0_i32_0 : i32, i32
  }
  func.func @transform_5(%arg0: i32) -> (i32, i32) {
    %c0_i32 = arith.constant 0 : i32
    %c0_i32_0 = arith.constant 0 : i32
    return %arg0, %c0_i32 : i32, i32
  }
}

</mosaic_0001>

<sc_bundles>
// kernel: kernel.10.cloned.1.call-start
scs
__scs_entry_jumppad:
0x0: {  	(pc) =	sbr.rel $0x88, $3  }
0x1: {  	(tag) =	ssettag $0x0;
	lr =	simm.s32 $0x1  }
0x2: {  	[smem:$0x3F9C] =	sst lr;
	_ =	strace $0xD0000000  }
0x3: {  	_ = 	snop  }
0x4: {  	_ = 	snop  }
0x5: {  	_ = 	snop  }
0x6: {  	_ = 	snop  }
0x7: {  	_ = 	snop  }
__scs_overlays_trampoline_lowered:
0x8: {  	[smem:$0x3FAB] =	sst s0  }
0x9: {  	[smem:$0x3FAC] =	sst s1  }
0xa: {  	[smem:$0x3FAD] =	sst s2  }
0xb: {  	[smem:$0x3FAE] =	sst s3  }
0xc: {  	[smem:$0x3FAF] =	sst s4  }
0xd: {  	[smem:$0x3FB0] =	sst s5  }
0xe: {  	[smem:$0x3FB1] =	sst s6  }
0xf: {  	[smem:$0x3FB2] =	sst s7  }
0x10: {  	[smem:$0x3FB3] =	sst s8  }
0x11: {  	[smem:$0x3FB4] =	sst s9;
	s0 =	simm.s32 @!p0 $0x0  }
0x12: {  	s1 =	sld [smem:$0x3F9A];
	s0 =	simm.s32 @p0 $0x1  }
0x13: {  	[smem:$0x3FB5] =	sst s0;
	s0 =	simm.s32 @!p1 $0x0  }
0x14: {  	s2 =	sld [smem:$0x3F99];
	s0 =	simm.s32 @p1 $0x1  }
0x15: {  	[smem:$0x3FB6] =	sst s0;
	s0 =	simm.s32 @!p2 $0x0  }
0x16: {  	s3 =	sld [smem:$0x3FDB];
	s0 =	simm.s32 @p2 $0x1  }
0x17: {  	s4 =	simm.s32 $0x1BF5;
	[smem:$0x3FB8] =	sst s0  }
0x18: {  	s0 =	sld [smem:$0x3F9B];
	_ =	swait.ge [sflag:s4], $0x0  }
0x19: {  	s7 =	sld [smem:$0x3F9C]  }
0x1a: {  	s8 =	sadd.s32 $0xFFFFE003, lr  }
0x1b: {  	s9 =	sadd.s32 $0xFFFFFEF7, lr;
	s5 =	simm.s32 $0xFFFFFFFF;
	p2 =	slt.u32 s8, $0xFFFFF086  }
0x1c: {  	p1 =	slt.u32 s9, $0xF7A;
	s5 =	simm.s32 @!p2 $0x0  }
0x1d: {  	s5 =	simm.s32 @p1 $0x1;
	p0 =	seq.s32 s7, s2  }
0x1e: {  	s7 =	smul.u32 @!p0 $0xF7A, s2;
	p2 =	seq.s32 @!p0 s5, $0x0  }
0x1f: {  	s9 =	smul.u32 $0xF7A, s1;
	s8 =	simm.s32 @!p0 $0x1BF5;
	p2 =	por !p2, p0  }
0x20: {  	[sflag:s8] =	ssyncset.s32 @!p0 $0xFFFFF086;
	s6 =	sadd.s32 @!p0 s3, s7;
	s7 =	simm.s32 @!p0 $0x108  }
0x21: {  	s3 =	sadd.s32 s3, s9;
	s6 =	sadd.s32 @!p0 $0x88, s6;
	s7 =	simm.s32 @p2 $0x1082  }
0x22: {  	[simem:s7], [sflag:s8] =	dma.local @!p0 [hbm:s6], $0xF7A  }
0x23: {  	s9 =	sor.u32 $0xD0000000, s2;
	s6 =	simm.s32 $0x108;
	_ =	swait.ge @!p0 [sflag:s8], $0x0  }
0x24: {  	s3 =	sadd.s32 $0x88, s3;
	s6 =	simm.s32 @!p1 $0x1082;
	[sflag:s4] =	ssyncset.s32 $0xFFFFF086  }
0x25: {  	[simem:s6], [sflag:s4] =	dma.local [hbm:s3], $0xF7A  }
0x26: {  	[smem:$0x3F9C] =	sst s1;
	(tag) =	ssettag s2;
	_ =	strace s9  }
0x27: {  	s1 =	sld [smem:$0x3FAC]  }
0x28: {  	s2 =	sld [smem:$0x3FAD]  }
0x29: {  	s4 =	sld [smem:$0x3FAF]  }
0x2a: {  	p0 =	seq.s32 s5, $0x0;
	s5 =	sld [smem:$0x3FB0]  }
0x2b: {  	s6 =	sld [smem:$0x3FB1]  }
0x2c: {  	s7 =	sld [smem:$0x3FB2]  }
0x2d: {  	s3 =	simm.s32 $0x108;
	s8 =	sld [smem:$0x3FB3]  }
0x2e: {  	s3 =	simm.s32 @!p0 $0x1082;
	s9 =	sld [smem:$0x3FB4]  }
0x2f: {  	lr =	sadd.s32 s0, s3;
	s0 =	sld [smem:$0x3FAB]  }
0x30: {  	s3 =	sld [smem:$0x3FAE]  }
0x31: {  	[smem:$0x3FB7] =	sst s10  }
0x32: {  	s10 =	sld [smem:$0x3FB5];
	_ =	sdelay $0x3  }
0x33: {  	p0 =	seq.s32 s10, $0x1;
	s10 =	sld [smem:$0x3FB7];
	_ =	sdelay $0x3  }
0x34: {  	[smem:$0x3FB7] =	sst s10  }
0x35: {  	s10 =	sld [smem:$0x3FB6];
	_ =	sdelay $0x3  }
0x36: {  	p1 =	seq.s32 s10, $0x1;
	s10 =	sld [smem:$0x3FB7];
	_ =	sdelay $0x3  }
0x37: {  	[smem:$0x3FB7] =	sst s10  }
0x38: {  	s10 =	sld [smem:$0x3FB8]  }
0x39: {  	_ = 	snop;
	(pc) =	sbr.ind lr, $3  }
0x3a: {  	_ = 	snop  }
0x3b: {  	_ = 	snop  }
0x3c: {  	p2 =	seq.s32 s10, $0x1;
	s10 =	sld [smem:$0x3FB7]  }
0x3d: {  	_ =	shalt  }
0x3e: {  	_ =	shalt  }
0x3f: {  	_ =	shalt  }
0x40: {  	_ =	shalt  }
0x41: {  	_ =	shalt  }
0x42: {  	_ =	shalt  }
0x43: {  	_ =	shalt  }
0x44: {  	_ =	shalt  }
0x45: {  	_ =	shalt  }
0x46: {  	_ =	shalt  }
0x47: {  	_ =	shalt  }
0x48: {  	_ =	shalt  }
0x49: {  	_ =	shalt  }
0x4a: {  	_ =	shalt  }
0x4b: {  	_ =	shalt  }
0x4c: {  	_ =	shalt  }
0x4d: {  	_ =	shalt  }
0x4e: {  	_ =	shalt  }
0x4f: {  	_ =	shalt  }
0x50: {  	_ =	shalt  }
0x51: {  	_ =	shalt  }
0x52: {  	_ =	shalt  }
0x53: {  	_ =	shalt  }
0x54: {  	_ =	shalt  }
0x55: {  	_ =	shalt  }
0x56: {  	_ =	shalt  }
0x57: {  	_ =	shalt  }
0x58: {  	_ =	shalt  }
0x59: {  	_ =	shalt  }
0x5a: {  	_ =	shalt  }
0x5b: {  	_ =	shalt  }
0x5c: {  	_ =	shalt  }
0x5d: {  	_ =	shalt  }
0x5e: {  	_ =	shalt  }
0x5f: {  	_ =	shalt  }
0x60: {  	_ =	shalt  }
0x61: {  	_ =	shalt  }
0x62: {  	_ =	shalt  }
0x63: {  	_ =	shalt  }
0x64: {  	_ =	shalt  }
0x65: {  	_ =	shalt  }
0x66: {  	_ =	shalt  }
0x67: {  	_ =	shalt  }
0x68: {  	_ =	shalt  }
0x69: {  	_ =	shalt  }
0x6a: {  	_ =	shalt  }
0x6b: {  	_ =	shalt  }
0x6c: {  	_ =	shalt  }
0x6d: {  	_ =	shalt  }
0x6e: {  	_ =	shalt  }
0x6f: {  	_ =	shalt  }
0x70: {  	_ =	shalt  }
0x71: {  	_ =	shalt  }
0x72: {  	_ =	shalt  }
0x73: {  	_ =	shalt  }
0x74: {  	_ =	shalt  }
0x75: {  	_ =	shalt  }
0x76: {  	_ =	shalt  }
0x77: {  	_ =	shalt  }
0x78: {  	_ =	shalt  }
0x79: {  	_ =	shalt  }
0x7a: {  	_ =	shalt  }
0x7b: {  	_ =	shalt  }
0x7c: {  	_ =	shalt  }
0x7d: {  	_ =	shalt  }
0x7e: {  	_ =	shalt  }
0x7f: {  	_ =	shalt  }
0x80: {  	_ =	shalt  }
0x81: {  	_ =	shalt  }
0x82: {  	_ =	shalt  }
0x83: {  	_ =	shalt  }
0x84: {  	_ =	shalt  }
0x85: {  	_ =	shalt  }
0x86: {  	_ =	shalt  }
0x87: {  	_ =	shalt  }
.Lfunc_end0:
.L_simem_size_0:
called_computation.1_lowered:
.L_overlay_start_0:
0x88: {  	s2 =	sld [smem:$0x3FD9]  }
0x89: {  	s3 =	sld [smem:$0x3FFE];
	_ =	sdelay $0x1  }
0x8a: {  	s1 =	srdreg.scid  }
0x8b: {  	s0 =	sand.u32 $0x1, s1  }
0x8c: {  	s17 =	sshll.u32 s0, $0xA;
	s2 =	sadd.s32 s3, s2  }
0x8d: {  	s2 =	sadd.s32 s2, s17  }
0x8e: {  	[smem:$0x3FC3] =	sst s2  }
0x8f: {  	_ = 	snop  }
0x90: {  	s2 =	sld [smem:$0x3FD0];
	(tm) =	ssettm $0x1  }
0x91: {  	s18 =	sld [smem:$0x3FFB];
	_ =	sdelay $0x3  }
0x92: {  	_ =	strace s18  }
0x93: {  	s3 =	sld [smem:$0x3FFC];
	_ =	sdelay $0x3  }
0x94: {  	_ =	strace s3  }
0x95: {  	s3 =	sld [smem:$0x3FFD];
	_ =	sdelay $0x3  }
0x96: {  	_ =	strace s3  }
0x97: {  	_ =	strace $0x8FFFFFFF  }
0x98: {  	s19 =	sld [smem:$0x3FDB];
	_ =	sdelay $0x1  }
0x99: {  	s4 =	simm.s32 $_scs_section_size  }
0x9a: {  	s5 =	simm.s32 $_size__tile_overlayer_lowered;
	s6 =	simm.s32 $_tile_overlayer_lowered  }
0x9b: {  	s22 =	simm.s32 $0x1BFF;
	s21 =	sshll.u32 s6, $0x1;
	s3 =	sadd.s32 s4, s19  }
0x9c: {  	s7 =	simm.s32 $0x0;
	s20 =	sshll.u32 s5, $0x1;
	s5 =	sadd.s32 s21, s3  }
0x9d: {  	[timem:s7], [sflag:s22] =	dma.local [hbm:s5], s20  }
0x9e: {  	_ =	swait.ge [sflag:s22], s20  }
0x9f: {  	s4 =	ssub.s32 $0x0, s20;
	[sflag:s22] =	ssyncset.done $0x0  }
0xa0: {  	[sflag:s22] =	ssyncadd.s32 s4;
	_ =	sdelay $0x1  }
0xa1: {  	s23 =	simm.s32 $0x1B8B  }
0xa2: {  	_ =	swait.ge [sflag:s23], $0x1  }
0xa3: {  	[sflag:s23] =	ssyncset.done $0x0  }
0xa4: {  	s25 =	simm.s32 $0x1B8E;
	s24 =	sld [smem:$0x3FFE];
	[sflag:s23] =	ssyncadd.s32 $0xFFFFFFFF  }
0xa5: {  	s26 =	simm.s32 $execute0_lowered;
	[smem:$0x3FD2] =	sst s25  }
0xa6: {  	s5 =	sshll.u32 s26, $0x1;
	_ =	strace $0x80000049;
	[dreg:$0x1] =	wrdreg $0xFFFFFFFF  }
0xa7: {  	s28 =	simm.s32 $_size_execute0_lowered;
	s3 =	sadd.s32 s3, s5;
	[dreg:$0x0] =	wrdreg $0x0  }
0xa8: {  	s5 =	sshll.u32 s28, $0x1;
	[dreg:$0x2] =	wrdreg s3  }
0xa9: {  	[dreg:$0x3] =	wrdreg s5  }
0xaa: {  	[dreg:$0x4] =	wrdreg $0xC0  }
0xab: {  	_ =	task [dreg:s7], $0x5FFFF  }
0xac: {  	[dreg:$0x1] =	wrdreg $0xFFFFFFFF  }
0xad: {  	[dreg:$0x0] =	wrdreg $0x60  }
0xae: {  	[dreg:$0x2] =	wrdreg s2  }
0xaf: {  	[dreg:$0x3] =	wrdreg s24  }
0xb0: {  	[dreg:$0x4] =	wrdreg $0xA8000  }
0xb1: {  	[dreg:$0x5] =	wrdreg $0x9  }
0xb2: {  	_ =	task.clear_ibuf [dreg:s7], $0x6FFFF;
	_ =	strace $0x90000049  }
0xb3: {  	s29 =	simm.s32 $0x9;
	_ =	strace $0x8000004B  }
0xb4: {  	_ =	swait.ge [sflag:s29], $0x1  }
0xb5: {  	[sflag:s29] =	ssyncadd.s32 $0xFFFFFFFF  }
0xb6: {  	_ =	strace $0x9000004B  }
0xb7: {  	_ =	sfence  }
0xb8: {  	s30 =	sld [smem:$0x0];
	_ =	sdelay $0x2  }
0xb9: {  	s31 =	sshll.u32 s1, $0xD;
	s1 =	sshrl.u32 s1, $0x2  }
0xba: {  	s3 =	sand.u32 $0x4000, s31;
	s1 =	sadd.s32 s1, s30  }
0xbb: {  	s0 =	sor.u32 s3, s0;
	s1 =	sshll.u32 s1, $0x11  }
0xbc: {  	s0 =	sor.u32 s1, s0  }
0xbd: {  	s0 =	sadd.s32 $0x8F2B, s0  }
0xbe: {  	[sflag:s0] =	ssyncadd.remote.s32 $0x1  }
0xbf: {  	_ =	sfence.sel $0xFFFF  }
0xc0: {  	[dreg:$0x0] =	wrdreg $0xFFFFFFFF;
	(pc) =	sbr.abs _section_cstart, $3  }
0xc1: {  	[dreg:$0x1] =	wrdreg $0xFFFFFFFF  }
0xc2: {  	_ =	task.clear_ibuf [dreg:s7], $0x2FFFF;
	_ =	strace $0x9FFFFFFF  }
0xc3: {  	(tm) =	ssettm $0x7FFFFFFF  }
tec
execute0_lowered:
.L_overlay_start_1:
0x0: {  	(tag) =	ssettag $0x1  }
0x1: {  	s0 =	rddreg [dreg:$0x0]  }
0x2: {  	s1 =	srdreg.scid;
	s5 =	rddreg [dreg:$0x1]  }
0x3: {  	s10 =	stileid.u32;
	s2 =	rddreg [dreg:$0x2]  }
0x4: {  	s3 =	simm.s32 $0x0;
	s16 =	simm.s32 $0x5;
	s17 =	simm.s32 $0x1400  }
0x5: {  	s18 =	simm.s32 $0x80;
	s19 =	simm.s32 $0x2800;
	s7 =	smul.u32 $0x14000, s10  }
0x6: {  	s20 =	simm.s32 $0x6800;
	s28 =	simm.s32 $0x2680;
	s9 =	smul.u32 $0x2800, s10  }
0x7: {  	s29 =	simm.s32 $0x1380;
	s1 =	sand.u32 $0x1, s1;
	s22 =	smul.u32 $0x50000, s10  }
0x8: {  	s30 =	simm.s32 $0x2700;
	s31 =	simm.s32 $0x2780;
	s6 =	smul.u32 $0x140000, s1  }
0x9: {  	[smem:$0x7FF] =	sst s3;
	s8 =	smul.u32 $0x28000, s1;
	s1 =	ssub.s32 $0x2, s1  }
0xa: {  	s4 =	sadd.s32 $0x2000, s5;
	_ =	strace $0x8000004A;
	s24 =	sshrl.u32 s1, $0x1  }
0xb: {  	s25 =	sshrl.u32 s22, $0x2;
	s22 =	simm.s32 $0x3;
	s6 =	sadd.s32 s7, s6  }
0xc: {  	s21 =	sadd.s32 s9, s8;
	s1 =	ssub.s32 s1, s24;
	s7 =	sadd.s32 s25, s2  }
0xd: {  	s24 =	simm.s32 $0x4;
	s25 =	simm.s32 $0x2600;
	s6 =	sshrl.u32 s6, $0x3  }
0xe: {  	s23 =	sshrl.u32 s21, $0x3;
	s9 =	sadd.s32 $0x8000, s7;
	s10 =	sadd.s32 $0xC000, s7  }
0xf: {  	s11 =	sadd.s32 $0x10000, s7;
	s15 =	smax.u32 s1, $0x1;
	s21 =	simm.s32 $0x1  }
0x10: {  	s1 =	simm.s32 $0x0;
	s6 =	sadd.s32 s6, s5;
	s5 =	sadd.s32 s0, s23  }
0x11: {  	s0 =	sadd.s32 $0x4000, s7;
	s23 =	simm.s32 $0x2;
	s26 =	sadd.s32 $0xA000, s5  }
0x12: {  	[dreg:$0x5] =	wrdreg s0;
	s12 =	sadd.s32 $0x280, s5;
	s13 =	sadd.s32 $0xA280, s5  }
0x13: {  	v0 =	vimm.f32 $0.0e+00;
	s14 =	sadd.s32 $0x2A000, s6;
	[dreg:$0x4] =	wrdreg s26;
	s26 =	simm.s32 $0x1300  }
.LBB2_1:
0x14: {  	[tilespmem:s3], [sflag:$0x5] =	stream.linear.gather [hbm4b:s5+s3], $0x1400, $0x38;
	[tilespmem:$0x1E800] =	vst v63  }
0x15: {  	_ =	swait.ge [sflag:s16], $0x1400  }
0x16: {  	[sflag:s16] =	ssyncset.done $0x0  }
0x17: {  	s0 =	rddreg [dreg:$0x4];
	[sflag:s16] =	ssyncadd.s32 $0xFFFFEC00  }
0x18: {  	[tilespmem:s17], [sflag:$0x5] =	stream.linear.gather [hbm4b:s0+s3], $0x1400, $0x38;
	[tilespmem:$0x1E800] =	vst v63  }
0x19: {  	_ =	swait.ge [sflag:s16], $0x1400  }
0x1a: {  	[sflag:s16] =	ssyncset.done $0x0  }
0x1b: {  	s6 =	simm.s32 $0x200;
	s0 =	simm.s32 $0x0;
	[sflag:s16] =	ssyncadd.s32 $0xFFFFEC00  }
0x1c: {  	[tilespmem:s19], [sflag:$0x1] =	stream.indirect.gather [hbm4b:s4+s18], $0x80, s3, s18, $0xb8;
	[tilespmem:$0x1E800] =	vst v63  }
.LBB2_2:
0x1d: {  	p0 =	sne.s32 s6, $0xFE00;
	[tilespmem:s0+$0x6870] =	vst v0  }
0x1e: {  	[tilespmem:s0+$0x6800] =	vst v0  }
0x1f: {  	[tilespmem:s0+$0x6810] =	vst v0  }
.Ltmp0:
0x20: {  	[tilespmem:s0+$0x6820] =	vst v0;
	(pc) =	sbr.rel @p0 .LBB2_2-.Ltmp0, $4  }
0x21: {  	[tilespmem:s0+$0x6830] =	vst v0  }
0x22: {  	[tilespmem:s0+$0x6840] =	vst v0  }
0x23: {  	[tilespmem:s0+$0x6850] =	vst v0  }
0x24: {  	[tilespmem:s0+$0x6860] =	vst v0;
	s0 =	sshra.s32 s6, $0x2;
	s6 =	sadd.s32 $0x200, s6  }
0x25: {  	[tilespmem:s0+$0x6870] =	vst v0  }
0x26: {  	[tilespmem:s0+$0x6800] =	vst v0  }
0x27: {  	[tilespmem:s0+$0x6810] =	vst v0  }
0x28: {  	[tilespmem:s0+$0x6820] =	vst v0  }
0x29: {  	[tilespmem:s0+$0x6830] =	vst v0  }
0x2a: {  	[tilespmem:s0+$0x6840] =	vst v0  }
0x2b: {  	[tilespmem:s0+$0x6850] =	vst v0  }
0x2c: {  	[tilespmem:s0+$0x6860] =	vst v0  }
0x2d: {  	[spmem:s7] =	stream.linear.scatter [tilespmem:s20], [sflag:$0x5], $0x4000, $0x38;
	[tilespmem:$0x1E800] =	vst v63  }
0x2e: {  	_ =	swait.ge [sflag:s16], $0x4000  }
0x2f: {  	[sflag:s16] =	ssyncset.done $0x0  }
0x30: {  	s6 =	rddreg [dreg:$0x5];
	[sflag:s16] =	ssyncadd.s32 $0xFFFFC000  }
0x31: {  	[spmem:s6] =	stream.linear.scatter [tilespmem:s20], [sflag:$0x5], $0x4000, $0x38;
	[tilespmem:$0x1E800] =	vst v63  }
0x32: {  	_ =	swait.ge [sflag:s16], $0x4000  }
0x33: {  	[sflag:s16] =	ssyncset.done $0x0  }
0x34: {  	[sflag:s16] =	ssyncadd.s32 $0xFFFFC000  }
0x35: {  	[spmem:s9] =	stream.linear.scatter [tilespmem:s20], [sflag:$0x5], $0x4000, $0x38;
	[tilespmem:$0x1E800] =	vst v63  }
0x36: {  	_ =	swait.ge [sflag:s16], $0x4000  }
0x37: {  	[sflag:s16] =	ssyncset.done $0x0  }
0x38: {  	[sflag:s16] =	ssyncadd.s32 $0xFFFFC000  }
0x39: {  	[spmem:s10] =	stream.linear.scatter [tilespmem:s20], [sflag:$0x5], $0x4000, $0x38;
	[tilespmem:$0x1E800] =	vst v63  }
0x3a: {  	_ =	swait.ge [sflag:s16], $0x4000  }
0x3b: {  	[sflag:s16] =	ssyncset.done $0x0  }
0x3c: {  	[sflag:s16] =	ssyncadd.s32 $0xFFFFC000  }
0x3d: {  	[spmem:s11] =	stream.linear.scatter [tilespmem:s20], [sflag:$0x5], $0x4000, $0x38;
	[tilespmem:$0x1E800] =	vst v63  }
0x3e: {  	_ =	swait.ge [sflag:s16], $0x4000  }
0x3f: {  	[sflag:s16] =	ssyncset.done $0x0  }
0x40: {  	[sflag:s16] =	ssyncadd.s32 $0xFFFFC000  }
0x41: {  	[bflag:$0x0] =	sbarrier.arrive $0xFFFF  }
0x42: {  	[tilespmem:s20], [sflag:$0x2] =	stream.indirect.gather [hbm4b:s4+s18], $0x80, s18, s18, $0xb8;
	[tilespmem:$0x1E800] =	vst v63  }
0x43: {  	_ =	swait.ge [sflag:s21], $0x4000  }
0x44: {  	[sflag:s21] =	ssyncset.done $0x0  }
0x45: {  	s8 =	simm.s32 $0x1400;
	[sflag:s21] =	ssyncadd.s32 $0xFFFFC000  }
0x46: {  	[spmem:s2] =	stream.indirect.scatter.add.f32 [tilespmem:s19], [sflag:$0x3], $0x80, s8, s18, $0xb8;
	[tilespmem:$0x1E800] =	vst v63  }
0x47: {  	_ =	swait.ge [sflag:s22], $0x4000  }
0x48: {  	[sflag:s22] =	ssyncset.done $0x0  }
0x49: {  	s6 =	simm.s32 $0x100;
	[sflag:s22] =	ssyncadd.s32 $0xFFFFC000  }
0x4a: {  	[tilespmem:s19], [sflag:$0x1] =	stream.indirect.gather [hbm4b:s4+s18], $0x80, s6, s18, $0xb8;
	[tilespmem:$0x1E800] =	vst v63  }
0x4b: {  	_ =	swait.ge [sflag:s23], $0x4000  }
0x4c: {  	[sflag:s23] =	ssyncset.done $0x0  }
0x4d: {  	s8 =	simm.s32 $0x1480;
	[sflag:s23] =	ssyncadd.s32 $0xFFFFC000  }
0x4e: {  	[spmem:s2] =	stream.indirect.scatter.add.f32 [tilespmem:s20], [sflag:$0x4], $0x80, s8, s18, $0xb8;
	[tilespmem:$0x1E800] =	vst v63  }
0x4f: {  	_ =	swait.ge [sflag:s24], $0x4000  }
0x50: {  	[sflag:s24] =	ssyncset.done $0x0  }
0x51: {  	s0 =	simm.s32 $0x400;
	s6 =	simm.s32 $0x180;
	[sflag:s24] =	ssyncadd.s32 $0xFFFFC000  }
.LBB2_4:
0x52: {  	[tilespmem:s20], [sflag:$0x2] =	stream.indirect.gather [hbm4b:s4+s18], $0x80, s6, s18, $0xb8;
	[tilespmem:$0x1E800] =	vst v63  }
0x53: {  	s6 =	smov.u32 s0  }
0x54: {  	p0 =	sne.s32 s0, $0x4400;
	s0 =	sadd.s32 $0x400, s0;
	_ =	swait.ge [sflag:s21], $0x4000  }
0x55: {  	s6 =	sshra.s32 s6, $0x2;
	[sflag:s21] =	ssyncset.done $0x0  }
0x56: {  	s8 =	sadd.s32 $0x1400, s6;
	[sflag:s21] =	ssyncadd.s32 $0xFFFFC000  }
0x57: {  	[spmem:s2] =	stream.indirect.scatter.add.f32 [tilespmem:s19], [sflag:$0x3], $0x80, s8, s18, $0xb8;
	[tilespmem:$0x1E800] =	vst v63  }
0x58: {  	_ =	swait.ge [sflag:s22], $0x4000  }
0x59: {  	[sflag:s22] =	ssyncset.done $0x0  }
0x5a: {  	s8 =	sadd.s32 $0x100, s6;
	[sflag:s22] =	ssyncadd.s32 $0xFFFFC000  }
0x5b: {  	[tilespmem:s19], [sflag:$0x1] =	stream.indirect.gather [hbm4b:s4+s18], $0x80, s8, s18, $0xb8;
	[tilespmem:$0x1E800] =	vst v63  }
0x5c: {  	_ =	swait.ge [sflag:s23], $0x4000  }
0x5d: {  	[sflag:s23] =	ssyncset.done $0x0  }
.Ltmp1:
0x5e: {  	s8 =	sadd.s32 $0x1480, s6;
	[sflag:s23] =	ssyncadd.s32 $0xFFFFC000;
	(pc) =	sbr.rel @p0 .LBB2_4-.Ltmp1, $4  }
0x5f: {  	[spmem:s2] =	stream.indirect.scatter.add.f32 [tilespmem:s20], [sflag:$0x4], $0x80, s8, s18, $0xb8;
	[tilespmem:$0x1E800] =	vst v63  }
0x60: {  	_ =	swait.ge [sflag:s24], $0x4000  }
0x61: {  	[sflag:s24] =	ssyncset.done $0x0  }
0x62: {  	s6 =	sadd.s32 $0x180, s6;
	[sflag:s24] =	ssyncadd.s32 $0xFFFFC000  }
0x63: {  	[tilespmem:s20], [sflag:$0x2] =	stream.indirect.gather [hbm4b:s4+s18], $0x80, s6, s18, $0xb8;
	[tilespmem:$0x1E800] =	vst v63  }
0x64: {  	_ =	swait.ge [sflag:s21], $0x4000  }
0x65: {  	[sflag:s21] =	ssyncset.done $0x0  }
0x66: {  	[sflag:s21] =	ssyncadd.s32 $0xFFFFC000  }
0x67: {  	[spmem:s2] =	stream.indirect.scatter.add.f32 [tilespmem:s19], [sflag:$0x3], $0x80, s25, s18, $0xb8;
	[tilespmem:$0x1E800] =	vst v63  }
0x68: {  	_ =	swait.ge [sflag:s22], $0x4000  }
0x69: {  	[sflag:s22] =	ssyncset.done $0x0  }
0x6a: {  	[sflag:s22] =	ssyncadd.s32 $0xFFFFC000  }
0x6b: {  	[tilespmem:s19], [sflag:$0x1] =	stream.indirect.gather [hbm4b:s4+s18], $0x80, s26, s18, $0xb8;
	[tilespmem:$0x1E800] =	vst v63  }
0x6c: {  	_ =	swait.ge [sflag:s23], $0x4000  }
0x6d: {  	[sflag:s23] =	ssyncset.done $0x0  }
0x6e: {  	[sflag:s23] =	ssyncadd.s32 $0xFFFFC000  }
0x6f: {  	[spmem:s2] =	stream.indirect.scatter.add.f32 [tilespmem:s20], [sflag:$0x4], $0x80, s28, s18, $0xb8;
	[tilespmem:$0x1E800] =	vst v63  }
0x70: {  	_ =	swait.ge [sflag:s24], $0x4000  }
0x71: {  	[sflag:s24] =	ssyncset.done $0x0  }
0x72: {  	[sflag:s24] =	ssyncadd.s32 $0xFFFFC000  }
0x73: {  	[tilespmem:s20], [sflag:$0x2] =	stream.indirect.gather [hbm4b:s4+s18], $0x80, s29, s18, $0xb8;
	[tilespmem:$0x1E800] =	vst v63  }
0x74: {  	_ =	swait.ge [sflag:s21], $0x4000  }
0x75: {  	[sflag:s21] =	ssyncset.done $0x0  }
0x76: {  	[sflag:s21] =	ssyncadd.s32 $0xFFFFC000  }
0x77: {  	[spmem:s2] =	stream.indirect.scatter.add.f32 [tilespmem:s19], [sflag:$0x3], $0x80, s30, s18, $0xb8;
	[tilespmem:$0x1E800] =	vst v63  }
0x78: {  	_ =	swait.ge [sflag:s22], $0x4000  }
0x79: {  	[sflag:s22] =	ssyncset.done $0x0  }
0x7a: {  	[sflag:s22] =	ssyncadd.s32 $0xFFFFC000  }
0x7b: {  	[tilespmem:s19], [sflag:$0x1] =	stream.indirect.gather [hbm4b:s4+s18], $0x80, s29, s18, $0xb8;
	[tilespmem:$0x1E800] =	vst v63  }
0x7c: {  	_ =	swait.ge [sflag:s23], $0x4000  }
0x7d: {  	[sflag:s23] =	ssyncset.done $0x0  }
0x7e: {  	[sflag:s23] =	ssyncadd.s32 $0xFFFFC000  }
0x7f: {  	[spmem:s2] =	stream.indirect.scatter.add.f32 [tilespmem:s20], [sflag:$0x4], $0x80, s31, s18, $0xb8;
	[tilespmem:$0x1E800] =	vst v63  }
0x80: {  	_ =	swait.ge [sflag:s24], $0x4000  }
0x81: {  	[sflag:s24] =	ssyncset.done $0x0  }
0x82: {  	[sflag:s24] =	ssyncadd.s32 $0xFFFFC000  }
0x83: {  	[tilespmem:s20], [sflag:$0x2] =	stream.indirect.gather [hbm4b:s4+s18], $0x80, s29, s18, $0xb8;
	[tilespmem:$0x1E800] =	vst v63  }
0x84: {  	_ =	swait.ge [sflag:s21], $0x4000  }
0x85: {  	[sflag:s21] =	ssyncset.done $0x0  }
0x86: {  	[sflag:s21] =	ssyncadd.s32 $0xFFFFC000  }
0x87: {  	_ =	swait.ge [sflag:s23], $0x4000  }
0x88: {  	[sflag:s23] =	ssyncset.done $0x0  }
0x89: {  	s0 =	simm.s32 $0x0;
	[sflag:s23] =	ssyncadd.s32 $0xFFFFC000  }
0x8a: {  	[tilespmem:s0], [sflag:$0x5] =	stream.linear.gather [hbm4b:s12+s0], $0x1400, $0x38;
	[tilespmem:$0x1E800] =	vst v63  }
0x8b: {  	_ =	swait.ge [sflag:s16], $0x1400  }
0x8c: {  	[sflag:s16] =	ssyncset.done $0x0  }
0x8d: {  	[sflag:s16] =	ssyncadd.s32 $0xFFFFEC00  }
0x8e: {  	[tilespmem:s17], [sflag:$0x5] =	stream.linear.gather [hbm4b:s13+s0], $0x1400, $0x38;
	[tilespmem:$0x1E800] =	vst v63  }
0x8f: {  	_ =	swait.ge [sflag:s16], $0x1400  }
0x90: {  	[sflag:s16] =	ssyncset.done $0x0  }
0x91: {  	[sflag:s16] =	ssyncadd.s32 $0xFFFFEC00  }
0x92: {  	[tilespmem:s19], [sflag:$0x1] =	stream.indirect.gather [hbm4b:s4+s18], $0x80, s0, s18, $0xb8;
	[tilespmem:$0x1E800] =	vst v63  }
0x93: {  	_ = 	snop  }
0x94: {  	[tilespmem:s20], [sflag:$0x2] =	stream.indirect.gather [hbm4b:s4+s18], $0x80, s18, s18, $0xb8;
	[tilespmem:$0x1E800] =	vst v63  }
0x95: {  	_ =	swait.ge [sflag:s21], $0x4000  }
0x96: {  	[sflag:s21] =	ssyncset.done $0x0  }
0x97: {  	s8 =	simm.s32 $0x1400;
	[sflag:s21] =	ssyncadd.s32 $0xFFFFC000  }
0x98: {  	[spmem:s2] =	stream.indirect.scatter.add.f32 [tilespmem:s19], [sflag:$0x3], $0x80, s8, s18, $0xb8;
	[tilespmem:$0x1E800] =	vst v63  }
0x99: {  	_ =	swait.ge [sflag:s22], $0x4000  }
0x9a: {  	[sflag:s22] =	ssyncset.done $0x0  }
0x9b: {  	s6 =	simm.s32 $0x100;
	[sflag:s22] =	ssyncadd.s32 $0xFFFFC000  }
0x9c: {  	[tilespmem:s19], [sflag:$0x1] =	stream.indirect.gather [hbm4b:s4+s18], $0x80, s6, s18, $0xb8;
	[tilespmem:$0x1E800] =	vst v63  }
0x9d: {  	_ =	swait.ge [sflag:s23], $0x4000  }
0x9e: {  	[sflag:s23] =	ssyncset.done $0x0  }
0x9f: {  	s8 =	simm.s32 $0x1480;
	[sflag:s23] =	ssyncadd.s32 $0xFFFFC000  }
0xa0: {  	[spmem:s2] =	stream.indirect.scatter.add.f32 [tilespmem:s20], [sflag:$0x4], $0x80, s8, s18, $0xb8;
	[tilespmem:$0x1E800] =	vst v63  }
0xa1: {  	_ =	swait.ge [sflag:s24], $0x4000  }
0xa2: {  	[sflag:s24] =	ssyncset.done $0x0  }
0xa3: {  	s0 =	simm.s32 $0x400;
	s6 =	simm.s32 $0x180;
	[sflag:s24] =	ssyncadd.s32 $0xFFFFC000  }
.LBB2_6:
0xa4: {  	[tilespmem:s20], [sflag:$0x2] =	stream.indirect.gather [hbm4b:s4+s18], $0x80, s6, s18, $0xb8;
	[tilespmem:$0x1E800] =	vst v63  }
0xa5: {  	s6 =	smov.u32 s0  }
0xa6: {  	p0 =	sne.s32 s0, $0x4400;
	s0 =	sadd.s32 $0x400, s0;
	_ =	swait.ge [sflag:s21], $0x4000  }
0xa7: {  	s6 =	sshra.s32 s6, $0x2;
	[sflag:s21] =	ssyncset.done $0x0  }
0xa8: {  	s8 =	sadd.s32 $0x1400, s6;
	[sflag:s21] =	ssyncadd.s32 $0xFFFFC000  }
0xa9: {  	[spmem:s2] =	stream.indirect.scatter.add.f32 [tilespmem:s19], [sflag:$0x3], $0x80, s8, s18, $0xb8;
	[tilespmem:$0x1E800] =	vst v63  }
0xaa: {  	_ =	swait.ge [sflag:s22], $0x4000  }
0xab: {  	[sflag:s22] =	ssyncset.done $0x0  }
0xac: {  	s8 =	sadd.s32 $0x100, s6;
	[sflag:s22] =	ssyncadd.s32 $0xFFFFC000  }
0xad: {  	[tilespmem:s19], [sflag:$0x1] =	stream.indirect.gather [hbm4b:s4+s18], $0x80, s8, s18, $0xb8;
	[tilespmem:$0x1E800] =	vst v63  }
0xae: {  	_ =	swait.ge [sflag:s23], $0x4000  }
0xaf: {  	[sflag:s23] =	ssyncset.done $0x0  }
.Ltmp2:
0xb0: {  	s8 =	sadd.s32 $0x1480, s6;
	[sflag:s23] =	ssyncadd.s32 $0xFFFFC000;
	(pc) =	sbr.rel @p0 .LBB2_6-.Ltmp2, $4  }
0xb1: {  	[spmem:s2] =	stream.indirect.scatter.add.f32 [tilespmem:s20], [sflag:$0x4], $0x80, s8, s18, $0xb8;
	[tilespmem:$0x1E800] =	vst v63  }
0xb2: {  	_ =	swait.ge [sflag:s24], $0x4000  }
0xb3: {  	[sflag:s24] =	ssyncset.done $0x0  }
0xb4: {  	s6 =	sadd.s32 $0x180, s6;
	[sflag:s24] =	ssyncadd.s32 $0xFFFFC000  }
0xb5: {  	[tilespmem:s20], [sflag:$0x2] =	stream.indirect.gather [hbm4b:s4+s18], $0x80, s6, s18, $0xb8;
	[tilespmem:$0x1E800] =	vst v63  }
0xb6: {  	_ =	swait.ge [sflag:s21], $0x4000  }
0xb7: {  	[sflag:s21] =	ssyncset.done $0x0  }
0xb8: {  	[sflag:s21] =	ssyncadd.s32 $0xFFFFC000  }
0xb9: {  	[spmem:s2] =	stream.indirect.scatter.add.f32 [tilespmem:s19], [sflag:$0x3], $0x80, s25, s18, $0xb8;
	[tilespmem:$0x1E800] =	vst v63  }
0xba: {  	_ =	swait.ge [sflag:s22], $0x4000  }
0xbb: {  	[sflag:s22] =	ssyncset.done $0x0  }
0xbc: {  	[sflag:s22] =	ssyncadd.s32 $0xFFFFC000  }
0xbd: {  	[tilespmem:s19], [sflag:$0x1] =	stream.indirect.gather [hbm4b:s4+s18], $0x80, s26, s18, $0xb8;
	[tilespmem:$0x1E800] =	vst v63  }
0xbe: {  	_ =	swait.ge [sflag:s23], $0x4000  }
0xbf: {  	[sflag:s23] =	ssyncset.done $0x0  }
0xc0: {  	[sflag:s23] =	ssyncadd.s32 $0xFFFFC000  }
0xc1: {  	[spmem:s2] =	stream.indirect.scatter.add.f32 [tilespmem:s20], [sflag:$0x4], $0x80, s28, s18, $0xb8;
	[tilespmem:$0x1E800] =	vst v63  }
0xc2: {  	_ =	swait.ge [sflag:s24], $0x4000  }
0xc3: {  	[sflag:s24] =	ssyncset.done $0x0  }
0xc4: {  	[sflag:s24] =	ssyncadd.s32 $0xFFFFC000  }
0xc5: {  	[tilespmem:s20], [sflag:$0x2] =	stream.indirect.gather [hbm4b:s4+s18], $0x80, s29, s18, $0xb8;
	[tilespmem:$0x1E800] =	vst v63  }
0xc6: {  	_ =	swait.ge [sflag:s21], $0x4000  }
0xc7: {  	[sflag:s21] =	ssyncset.done $0x0  }
0xc8: {  	[sflag:s21] =	ssyncadd.s32 $0xFFFFC000  }
0xc9: {  	[spmem:s2] =	stream.indirect.scatter.add.f32 [tilespmem:s19], [sflag:$0x3], $0x80, s30, s18, $0xb8;
	[tilespmem:$0x1E800] =	vst v63  }
0xca: {  	_ =	swait.ge [sflag:s22], $0x4000  }
0xcb: {  	[sflag:s22] =	ssyncset.done $0x0  }
0xcc: {  	[sflag:s22] =	ssyncadd.s32 $0xFFFFC000  }
0xcd: {  	[tilespmem:s19], [sflag:$0x1] =	stream.indirect.gather [hbm4b:s4+s18], $0x80, s29, s18, $0xb8;
	[tilespmem:$0x1E800] =	vst v63  }
0xce: {  	_ =	swait.ge [sflag:s23], $0x4000  }
0xcf: {  	[sflag:s23] =	ssyncset.done $0x0  }
0xd0: {  	[sflag:s23] =	ssyncadd.s32 $0xFFFFC000  }
0xd1: {  	[spmem:s2] =	stream.indirect.scatter.add.f32 [tilespmem:s20], [sflag:$0x4], $0x80, s31, s18, $0xb8;
	[tilespmem:$0x1E800] =	vst v63  }
0xd2: {  	_ =	swait.ge [sflag:s24], $0x4000  }
0xd3: {  	[sflag:s24] =	ssyncset.done $0x0  }
0xd4: {  	[sflag:s24] =	ssyncadd.s32 $0xFFFFC000  }
0xd5: {  	[tilespmem:s20], [sflag:$0x2] =	stream.indirect.gather [hbm4b:s4+s18], $0x80, s29, s18, $0xb8;
	[tilespmem:$0x1E800] =	vst v63  }
0xd6: {  	_ =	swait.ge [sflag:s21], $0x4000  }
0xd7: {  	[sflag:s21] =	ssyncset.done $0x0  }
0xd8: {  	[sflag:s21] =	ssyncadd.s32 $0xFFFFC000  }
0xd9: {  	s0 =	stileid.u32;
	_ =	swait.ge [sflag:s23], $0x4000  }
0xda: {  	s8 =	sshrl.u32 s7, $0x3;
	s1 =	sadd.s32 $0x1, s1;
	[sflag:s23] =	ssyncset.done $0x0  }
0xdb: {  	s0 =	sshll.u32 s0, $0x6;
	p0 =	sne.s32 s1, s15;
	[sflag:s23] =	ssyncadd.s32 $0xFFFFC000  }
.Ltmp3:
0xdc: {  	s0 =	sor.u32 $0x1C05, s0;
	[bflag:$0x0] =	sbarrier.arrive $0xFFFF;
	(pc) =	sbr.rel @p0 .LBB2_1-.Ltmp3, $4  }
0xdd: {  	[hbm:s14], [sflag:s0] =	dma.local [spmem:s8], $0x2800  }
0xde: {  	_ =	swait.ge [sflag:s16], $0x2800  }
0xdf: {  	[sflag:s16] =	ssyncset.done $0x0  }
0xe0: {  	[sflag:s16] =	ssyncadd.s32 $0xFFFFD800  }
0xe1: {  	_ =	sfence.sel $0x180000  }
0xe2: {  	[bflag:$0x0] =	sbarrier.arrive $0xFFFF  }
0xe3: {  	_ =	strace $0x9000004A  }
0xe4: {  	s0 =	stileid.u32;
	[bflag:$0x2] =	sbarrier.arrive $0xFFFF  }
0xe5: {  	p0 =	sne.s32 s0, $0x0;
	s0 =	rddreg [dreg:$0x3]  }
0xe6: {  	s0 =	sadd.s32 @!p0 $0x100000, s0  }
0xe7: {  	[sflag:s0] =	ssyncadd.tile.s32 @!p0 $0x1;
	_ =	shalt  }
.Lfunc_end2:
_tile_overlayer_lowered:
.L_overlay_start_2:
0xe8: {  	(tag) =	ssettag $0x2  }
0xe9: {  	s0 =	rddreg [dreg:$0x0];
	s2 =	stileid.u32  }
0xea: {  	s1 =	rddreg [dreg:$0x1];
	p0 =	sne.s32 s2, $0x0  }
0xeb: {  	s3 =	rddreg [dreg:$0x2];
	[bflag:$0x3] =	sbarrier.arrive $0xFFFF;
	s2 =	simm.s32 @!p0 $0x1C05  }
0xec: {  	[timem:s3], [sflag:s2] =	dma.local @!p0 [hbm:s0], s1  }
0xed: {  	s0 =	simm.s32 @!p0 $0x5  }
0xee: {  	_ =	swait.ge @!p0 [sflag:s0], s1  }
0xef: {  	s1 =	ssub.s32 @!p0 $0x0, s1;
	[sflag:s0] =	ssyncset.done @!p0 $0x0  }
0xf0: {  	[sflag:s0] =	ssyncadd.s32 @!p0 s1  }
0xf1: {  	[bflag:$0x3] =	sbarrier.arrive $0xFFFF  }
0xf2: {  	_ =	shalt  }

// kernel: kernel.7.cloned.1.call-start
scs
__scs_entry_jumppad:
0x0: {  	(pc) =	sbr.rel $0x88, $3  }
0x1: {  	(tag) =	ssettag $0x0;
	lr =	simm.s32 $0x1  }
0x2: {  	[smem:$0x3F9C] =	sst lr;
	_ =	strace $0xD0000000  }
0x3: {  	_ = 	snop  }
0x4: {  	_ = 	snop  }
0x5: {  	_ = 	snop  }
0x6: {  	_ = 	snop  }
0x7: {  	_ = 	snop  }
__scs_overlays_trampoline_lowered:
0x8: {  	[smem:$0x3FAB] =	sst s0  }
0x9: {  	[smem:$0x3FAC] =	sst s1  }
0xa: {  	[smem:$0x3FAD] =	sst s2  }
0xb: {  	[smem:$0x3FAE] =	sst s3  }
0xc: {  	[smem:$0x3FAF] =	sst s4  }
0xd: {  	[smem:$0x3FB0] =	sst s5  }
0xe: {  	[smem:$0x3FB1] =	sst s6  }
0xf: {  	[smem:$0x3FB2] =	sst s7  }
0x10: {  	[smem:$0x3FB3] =	sst s8  }
0x11: {  	[smem:$0x3FB4] =	sst s9;
	s0 =	simm.s32 @!p0 $0x0  }
0x12: {  	s1 =	sld [smem:$0x3F9A];
	s0 =	simm.s32 @p0 $0x1  }
0x13: {  	[smem:$0x3FB5] =	sst s0;
	s0 =	simm.s32 @!p1 $0x0  }
0x14: {  	s2 =	sld [smem:$0x3F99];
	s0 =	simm.s32 @p1 $0x1  }
0x15: {  	[smem:$0x3FB6] =	sst s0;
	s0 =	simm.s32 @!p2 $0x0  }
0x16: {  	s3 =	sld [smem:$0x3FDB];
	s0 =	simm.s32 @p2 $0x1  }
0x17: {  	s4 =	simm.s32 $0x1BF5;
	[smem:$0x3FB8] =	sst s0  }
0x18: {  	s0 =	sld [smem:$0x3F9B];
	_ =	swait.ge [sflag:s4], $0x0  }
0x19: {  	s7 =	sld [smem:$0x3F9C]  }
0x1a: {  	s8 =	sadd.s32 $0xFFFFE003, lr  }
0x1b: {  	s9 =	sadd.s32 $0xFFFFFEF7, lr;
	s5 =	simm.s32 $0xFFFFFFFF;
	p2 =	slt.u32 s8, $0xFFFFF086  }
0x1c: {  	p1 =	slt.u32 s9, $0xF7A;
	s5 =	simm.s32 @!p2 $0x0  }
0x1d: {  	s5 =	simm.s32 @p1 $0x1;
	p0 =	seq.s32 s7, s2  }
0x1e: {  	s7 =	smul.u32 @!p0 $0xF7A, s2;
	p2 =	seq.s32 @!p0 s5, $0x0  }
0x1f: {  	s9 =	smul.u32 $0xF7A, s1;
	s8 =	simm.s32 @!p0 $0x1BF5;
	p2 =	por !p2, p0  }
0x20: {  	[sflag:s8] =	ssyncset.s32 @!p0 $0xFFFFF086;
	s6 =	sadd.s32 @!p0 s3, s7;
	s7 =	simm.s32 @!p0 $0x108  }
0x21: {  	s3 =	sadd.s32 s3, s9;
	s6 =	sadd.s32 @!p0 $0x88, s6;
	s7 =	simm.s32 @p2 $0x1082  }
0x22: {  	[simem:s7], [sflag:s8] =	dma.local @!p0 [hbm:s6], $0xF7A  }
0x23: {  	s9 =	sor.u32 $0xD0000000, s2;
	s6 =	simm.s32 $0x108;
	_ =	swait.ge @!p0 [sflag:s8], $0x0  }
0x24: {  	s3 =	sadd.s32 $0x88, s3;
	s6 =	simm.s32 @!p1 $0x1082;
	[sflag:s4] =	ssyncset.s32 $0xFFFFF086  }
0x25: {  	[simem:s6], [sflag:s4] =	dma.local [hbm:s3], $0xF7A  }
0x26: {  	[smem:$0x3F9C] =	sst s1;
	(tag) =	ssettag s2;
	_ =	strace s9  }
0x27: {  	s1 =	sld [smem:$0x3FAC]  }
0x28: {  	s2 =	sld [smem:$0x3FAD]  }
0x29: {  	s4 =	sld [smem:$0x3FAF]  }
0x2a: {  	p0 =	seq.s32 s5, $0x0;
	s5 =	sld [smem:$0x3FB0]  }
0x2b: {  	s6 =	sld [smem:$0x3FB1]  }
0x2c: {  	s7 =	sld [smem:$0x3FB2]  }
0x2d: {  	s3 =	simm.s32 $0x108;
	s8 =	sld [smem:$0x3FB3]  }
0x2e: {  	s3 =	simm.s32 @!p0 $0x1082;
	s9 =	sld [smem:$0x3FB4]  }
0x2f: {  	lr =	sadd.s32 s0, s3;
	s0 =	sld [smem:$0x3FAB]  }
0x30: {  	s3 =	sld [smem:$0x3FAE]  }
0x31: {  	[smem:$0x3FB7] =	sst s10  }
0x32: {  	s10 =	sld [smem:$0x3FB5];
	_ =	sdelay $0x3  }
0x33: {  	p0 =	seq.s32 s10, $0x1;
	s10 =	sld [smem:$0x3FB7];
	_ =	sdelay $0x3  }
0x34: {  	[smem:$0x3FB7] =	sst s10  }
0x35: {  	s10 =	sld [smem:$0x3FB6];
	_ =	sdelay $0x3  }
0x36: {  	p1 =	seq.s32 s10, $0x1;
	s10 =	sld [smem:$0x3FB7];
	_ =	sdelay $0x3  }
0x37: {  	[smem:$0x3FB7] =	sst s10  }
0x38: {  	s10 =	sld [smem:$0x3FB8]  }
0x39: {  	_ = 	snop;
	(pc) =	sbr.ind lr, $3  }
0x3a: {  	_ = 	snop  }
0x3b: {  	_ = 	snop  }
0x3c: {  	p2 =	seq.s32 s10, $0x1;
	s10 =	sld [smem:$0x3FB7]  }
0x3d: {  	_ =	shalt  }
0x3e: {  	_ =	shalt  }
0x3f: {  	_ =	shalt  }
0x40: {  	_ =	shalt  }
0x41: {  	_ =	shalt  }
0x42: {  	_ =	shalt  }
0x43: {  	_ =	shalt  }
0x44: {  	_ =	shalt  }
0x45: {  	_ =	shalt  }
0x46: {  	_ =	shalt  }
0x47: {  	_ =	shalt  }
0x48: {  	_ =	shalt  }
0x49: {  	_ =	shalt  }
0x4a: {  	_ =	shalt  }
0x4b: {  	_ =	shalt  }
0x4c: {  	_ =	shalt  }
0x4d: {  	_ =	shalt  }
0x4e: {  	_ =	shalt  }
0x4f: {  	_ =	shalt  }
0x50: {  	_ =	shalt  }
0x51: {  	_ =	shalt  }
0x52: {  	_ =	shalt  }
0x53: {  	_ =	shalt  }
0x54: {  	_ =	shalt  }
0x55: {  	_ =	shalt  }
0x56: {  	_ =	shalt  }
0x57: {  	_ =	shalt  }
0x58: {  	_ =	shalt  }
0x59: {  	_ =	shalt  }
0x5a: {  	_ =	shalt  }
0x5b: {  	_ =	shalt  }
0x5c: {  	_ =	shalt  }
0x5d: {  	_ =	shalt  }
0x5e: {  	_ =	shalt  }
0x5f: {  	_ =	shalt  }
0x60: {  	_ =	shalt  }
0x61: {  	_ =	shalt  }
0x62: {  	_ =	shalt  }
0x63: {  	_ =	shalt  }
0x64: {  	_ =	shalt  }
0x65: {  	_ =	shalt  }
0x66: {  	_ =	shalt  }
0x67: {  	_ =	shalt  }
0x68: {  	_ =	shalt  }
0x69: {  	_ =	shalt  }
0x6a: {  	_ =	shalt  }
0x6b: {  	_ =	shalt  }
0x6c: {  	_ =	shalt  }
0x6d: {  	_ =	shalt  }
0x6e: {  	_ =	shalt  }
0x6f: {  	_ =	shalt  }
0x70: {  	_ =	shalt  }
0x71: {  	_ =	shalt  }
0x72: {  	_ =	shalt  }
0x73: {  	_ =	shalt  }
0x74: {  	_ =	shalt  }
0x75: {  	_ =	shalt  }
0x76: {  	_ =	shalt  }
0x77: {  	_ =	shalt  }
0x78: {  	_ =	shalt  }
0x79: {  	_ =	shalt  }
0x7a: {  	_ =	shalt  }
0x7b: {  	_ =	shalt  }
0x7c: {  	_ =	shalt  }
0x7d: {  	_ =	shalt  }
0x7e: {  	_ =	shalt  }
0x7f: {  	_ =	shalt  }
0x80: {  	_ =	shalt  }
0x81: {  	_ =	shalt  }
0x82: {  	_ =	shalt  }
0x83: {  	_ =	shalt  }
0x84: {  	_ =	shalt  }
0x85: {  	_ =	shalt  }
0x86: {  	_ =	shalt  }
0x87: {  	_ =	shalt  }
.Lfunc_end0:
.L_simem_size_0:
called_computation_lowered:
.L_overlay_start_0:
0x88: {  	s2 =	sld [smem:$0x3FD9]  }
0x89: {  	s3 =	sld [smem:$0x3FFE];
	_ =	sdelay $0x1  }
0x8a: {  	s1 =	srdreg.scid  }
0x8b: {  	s0 =	sand.u32 $0x1, s1  }
0x8c: {  	s17 =	sshll.u32 s0, $0xA;
	s2 =	sadd.s32 s3, s2  }
0x8d: {  	s2 =	sadd.s32 s2, s17  }
0x8e: {  	[smem:$0x3FC3] =	sst s2  }
0x8f: {  	_ = 	snop  }
0x90: {  	s2 =	sld [smem:$0x3FD0];
	(tm) =	ssettm $0x1  }
0x91: {  	s18 =	sld [smem:$0x3FFB];
	_ =	sdelay $0x3  }
0x92: {  	_ =	strace s18  }
0x93: {  	s3 =	sld [smem:$0x3FFC];
	_ =	sdelay $0x3  }
0x94: {  	_ =	strace s3  }
0x95: {  	s3 =	sld [smem:$0x3FFD];
	_ =	sdelay $0x3  }
0x96: {  	_ =	strace s3  }
0x97: {  	_ =	strace $0x8FFFFFFF  }
0x98: {  	s19 =	sld [smem:$0x3FDB];
	_ =	sdelay $0x1  }
0x99: {  	s4 =	simm.s32 $_scs_section_size  }
0x9a: {  	s5 =	simm.s32 $_size__tile_overlayer_lowered;
	s6 =	simm.s32 $_tile_overlayer_lowered  }
0x9b: {  	s22 =	simm.s32 $0x1BFF;
	s21 =	sshll.u32 s6, $0x1;
	s3 =	sadd.s32 s4, s19  }
0x9c: {  	s7 =	simm.s32 $0x0;
	s20 =	sshll.u32 s5, $0x1;
	s5 =	sadd.s32 s21, s3  }
0x9d: {  	[timem:s7], [sflag:s22] =	dma.local [hbm:s5], s20  }
0x9e: {  	_ =	swait.ge [sflag:s22], s20  }
0x9f: {  	s4 =	ssub.s32 $0x0, s20;
	[sflag:s22] =	ssyncset.done $0x0  }
0xa0: {  	[sflag:s22] =	ssyncadd.s32 s4;
	_ =	sdelay $0x1  }
0xa1: {  	s23 =	simm.s32 $0x1B8B  }
0xa2: {  	_ =	swait.ge [sflag:s23], $0x1  }
0xa3: {  	[sflag:s23] =	ssyncset.done $0x0  }
0xa4: {  	s25 =	simm.s32 $0x1B8E;
	s24 =	sld [smem:$0x3FFE];
	[sflag:s23] =	ssyncadd.s32 $0xFFFFFFFF  }
0xa5: {  	s26 =	simm.s32 $execute0_lowered;
	[smem:$0x3FD2] =	sst s25  }
0xa6: {  	s5 =	sshll.u32 s26, $0x1;
	_ =	strace $0x80000046;
	[dreg:$0x1] =	wrdreg $0xFFFFFFFF  }
0xa7: {  	s28 =	simm.s32 $_size_execute0_lowered;
	s3 =	sadd.s32 s3, s5;
	[dreg:$0x0] =	wrdreg $0x0  }
0xa8: {  	s5 =	sshll.u32 s28, $0x1;
	[dreg:$0x2] =	wrdreg s3  }
0xa9: {  	[dreg:$0x3] =	wrdreg s5  }
0xaa: {  	[dreg:$0x4] =	wrdreg $0xC0  }
0xab: {  	_ =	task [dreg:s7], $0x5FFFF  }
0xac: {  	[dreg:$0x1] =	wrdreg $0xFFFFFFFF  }
0xad: {  	[dreg:$0x0] =	wrdreg $0x60  }
0xae: {  	[dreg:$0x2] =	wrdreg s2  }
0xaf: {  	[dreg:$0x3] =	wrdreg s24  }
0xb0: {  	[dreg:$0x4] =	wrdreg $0xA8000  }
0xb1: {  	[dreg:$0x5] =	wrdreg $0x9  }
0xb2: {  	_ =	task.clear_ibuf [dreg:s7], $0x6FFFF;
	_ =	strace $0x90000046  }
0xb3: {  	s29 =	simm.s32 $0x9;
	_ =	strace $0x80000048  }
0xb4: {  	_ =	swait.ge [sflag:s29], $0x1  }
0xb5: {  	[sflag:s29] =	ssyncadd.s32 $0xFFFFFFFF  }
0xb6: {  	_ =	strace $0x90000048  }
0xb7: {  	_ =	sfence  }
0xb8: {  	s30 =	sld [smem:$0x0];
	_ =	sdelay $0x2  }
0xb9: {  	s31 =	sshll.u32 s1, $0xD;
	s1 =	sshrl.u32 s1, $0x2  }
0xba: {  	s3 =	sand.u32 $0x4000, s31;
	s1 =	sadd.s32 s1, s30  }
0xbb: {  	s0 =	sor.u32 s3, s0;
	s1 =	sshll.u32 s1, $0x11  }
0xbc: {  	s0 =	sor.u32 s1, s0  }
0xbd: {  	s0 =	sadd.s32 $0x8F2B, s0  }
0xbe: {  	[sflag:s0] =	ssyncadd.remote.s32 $0x1  }
0xbf: {  	_ =	sfence.sel $0xFFFF  }
0xc0: {  	[dreg:$0x0] =	wrdreg $0xFFFFFFFF;
	(pc) =	sbr.abs _section_cstart, $3  }
0xc1: {  	[dreg:$0x1] =	wrdreg $0xFFFFFFFF  }
0xc2: {  	_ =	task.clear_ibuf [dreg:s7], $0x2FFFF;
	_ =	strace $0x9FFFFFFF  }
0xc3: {  	(tm) =	ssettm $0x7FFFFFFF  }
tec
execute0_lowered:
.L_overlay_start_1:
0x0: {  	(tag) =	ssettag $0x1  }
0x1: {  	s4 =	rddreg [dreg:$0x0]  }
0x2: {  	s5 =	rddreg [dreg:$0x1]  }
0x3: {  	s0 =	srdreg.scid;
	s2 =	rddreg [dreg:$0x2]  }
0x4: {  	s1 =	rddreg [dreg:$0x3];
	s6 =	sand.u32 $0x1, s0  }
0x5: {  	s0 =	stileid.u32;
	s7 =	smul.u32 $0x140000, s6  }
0x6: {  	s3 =	simm.s32 $0x0;
	s13 =	simm.s32 $0x6800;
	s8 =	smul.u32 $0x14000, s0  }
0x7: {  	s14 =	simm.s32 $0x80;
	s15 =	simm.s32 $0x2800;
	s9 =	smul.u32 $0x28000, s6  }
0x8: {  	s18 =	simm.s32 $0x0;
	[smem:$0x7FF] =	sst s3;
	s25 =	smul.u32 $0x2800, s0  }
0x9: {  	s10 =	smul.u32 $0x50000, s0;
	s26 =	ssub.s32 $0x2, s6;
	s16 =	sshll.u32 s0, $0x6  }
0xa: {  	_ =	strace $0x80000047;
	s29 =	sshrl.u32 s26, $0x1;
	s16 =	sor.u32 $0x1C01, s16  }
0xb: {  	s7 =	sadd.s32 s8, s7;
	s28 =	sadd.s32 s9, s25;
	s30 =	sshrl.u32 s10, $0x2  }
0xc: {  	s12 =	ssub.s32 s26, s29;
	s7 =	sshrl.u32 s7, $0x3;
	s6 =	sshrl.u32 s28, $0x3  }
0xd: {  	s11 =	sadd.s32 s7, s5;
	s31 =	sadd.s32 s4, s6;
	s4 =	sadd.s32 s30, s2  }
0xe: {  	s5 =	sadd.s32 $0xA000, s31;
	s6 =	sadd.s32 $0x4000, s4;
	s7 =	sadd.s32 $0x8000, s4  }
0xf: {  	s8 =	sadd.s32 $0xC000, s4;
	s9 =	sadd.s32 $0x10000, s4;
	s10 =	sadd.s32 $0x2000, s11  }
0x10: {  	v0 =	vimm.f32 $1.000000000e+00;
	v1 =	vimm.f32 $0.0e+00;
	s11 =	smax.u32 s12, $0x1;
	s12 =	simm.s32 $0x1;
	s17 =	sshrl.u32 s4, $0x3  }
.LBB2_1:
0x11: {  	[tilespmem:s3], [sflag:$0x1] =	stream.linear.gather [hbm4b:s5+s3], $0x2800, $0x38;
	[tilespmem:$0xD000] =	vst v63  }
0x12: {  	_ =	swait.ge [sflag:s12], $0x2800  }
0x13: {  	[sflag:s12] =	ssyncset.done $0x0  }
0x14: {  	s19 =	simm.s32 $0x200;
	s20 =	simm.s32 $0x0;
	[sflag:s12] =	ssyncadd.s32 $0xFFFFD800  }
.LBB2_2:
0x15: {  	p0 =	sne.s32 s19, $0xFE00;
	[tilespmem:s20+$0x2800] =	vst v0;
	s21 =	smov.u32 s19;
	s19 =	sadd.s32 $0x200, s19  }
.Ltmp0:
0x16: {  	[tilespmem:s20+$0x6800] =	vst v1;
	(pc) =	sbr.rel @p0 .LBB2_2-.Ltmp0, $2  }
0x17: {  	_ =	sdelay $0x2  }
0x18: {  	s20 =	sshra.s32 s21, $0x2  }
0x19: {  	[tilespmem:s20+$0x2800] =	vst v0  }
0x1a: {  	[tilespmem:s20+$0x6800] =	vst v1  }
0x1b: {  	[spmem:s4] =	stream.linear.scatter [tilespmem:s13], [sflag:$0x1], $0x4000, $0x38;
	[tilespmem:$0xD000] =	vst v63  }
0x1c: {  	_ =	swait.ge [sflag:s12], $0x4000  }
0x1d: {  	[sflag:s12] =	ssyncset.done $0x0  }
0x1e: {  	[sflag:s12] =	ssyncadd.s32 $0xFFFFC000  }
0x1f: {  	[spmem:s6] =	stream.linear.scatter [tilespmem:s13], [sflag:$0x1], $0x4000, $0x38;
	[tilespmem:$0xD000] =	vst v63  }
0x20: {  	_ =	swait.ge [sflag:s12], $0x4000  }
0x21: {  	[sflag:s12] =	ssyncset.done $0x0  }
0x22: {  	[sflag:s12] =	ssyncadd.s32 $0xFFFFC000  }
0x23: {  	[spmem:s7] =	stream.linear.scatter [tilespmem:s13], [sflag:$0x1], $0x4000, $0x38;
	[tilespmem:$0xD000] =	vst v63  }
0x24: {  	_ =	swait.ge [sflag:s12], $0x4000  }
0x25: {  	[sflag:s12] =	ssyncset.done $0x0  }
0x26: {  	[sflag:s12] =	ssyncadd.s32 $0xFFFFC000  }
0x27: {  	[spmem:s8] =	stream.linear.scatter [tilespmem:s13], [sflag:$0x1], $0x4000, $0x38;
	[tilespmem:$0xD000] =	vst v63  }
0x28: {  	_ =	swait.ge [sflag:s12], $0x4000  }
0x29: {  	[sflag:s12] =	ssyncset.done $0x0  }
0x2a: {  	[sflag:s12] =	ssyncadd.s32 $0xFFFFC000  }
0x2b: {  	[spmem:s9] =	stream.linear.scatter [tilespmem:s13], [sflag:$0x1], $0x4000, $0x38;
	[tilespmem:$0xD000] =	vst v63  }
0x2c: {  	_ =	swait.ge [sflag:s12], $0x4000  }
0x2d: {  	[sflag:s12] =	ssyncset.done $0x0  }
0x2e: {  	[sflag:s12] =	ssyncadd.s32 $0xFFFFC000  }
0x2f: {  	s19 =	simm.s32 $0x0;
	[bflag:$0x0] =	sbarrier.arrive $0xFFFF  }
0x30: {  	[spmem:s2] =	stream.indirect.scatter.add.f32 [tilespmem:s15], [sflag:$0x1], $0x10, s19, s14, $0xb8;
	[tilespmem:$0xD000] =	vst v63  }
0x31: {  	_ =	swait.ge [sflag:s12], $0x800  }
0x32: {  	s19 =	simm.s32 $0x200;
	[sflag:s12] =	ssyncset.done $0x0  }
.LBB2_4:
0x33: {  	s20 =	sshra.s32 s19, $0x2;
	[sflag:s12] =	ssyncadd.s32 $0xFFFFF800;
	p0 =	sne.s32 s19, $0x9E00  }
0x34: {  	[spmem:s2] =	stream.indirect.scatter.add.f32 [tilespmem:s15], [sflag:$0x1], $0x10, s20, s14, $0xb8;
	[tilespmem:$0xD000] =	vst v63  }
.Ltmp1:
0x35: {  	_ = 	snop;
	(pc) =	sbr.rel @p0 .LBB2_4-.Ltmp1, $4  }
0x36: {  	_ = 	snop  }
0x37: {  	s19 =	sadd.s32 $0x200, s19  }
0x38: {  	_ =	swait.ge [sflag:s12], $0x800  }
0x39: {  	[sflag:s12] =	ssyncset.done $0x0  }
0x3a: {  	s18 =	sadd.s32 $0x1, s18  }
0x3b: {  	[sflag:s12] =	ssyncadd.s32 $0xFFFFF800;
	p0 =	sne.s32 s18, s11  }
.Ltmp2:
0x3c: {  	[bflag:$0x0] =	sbarrier.arrive $0xFFFF;
	(pc) =	sbr.rel @p0 .LBB2_1-.Ltmp2, $4  }
0x3d: {  	[hbm:s10], [sflag:s16] =	dma.local [spmem:s17], $0x2800  }
0x3e: {  	_ =	swait.ge [sflag:s12], $0x2800  }
0x3f: {  	[sflag:s12] =	ssyncset.done $0x0  }
0x40: {  	[sflag:s12] =	ssyncadd.s32 $0xFFFFD800  }
0x41: {  	_ =	sfence.sel $0x180000  }
0x42: {  	[bflag:$0x0] =	sbarrier.arrive $0xFFFF  }
0x43: {  	p0 =	sne.s32 s0, $0x0;
	_ =	strace $0x90000047  }
0x44: {  	s0 =	sadd.s32 @!p0 $0x100000, s1;
	[bflag:$0x2] =	sbarrier.arrive $0xFFFF  }
0x45: {  	[sflag:s0] =	ssyncadd.tile.s32 @!p0 $0x1;
	_ =	shalt  }
.Lfunc_end2:
_tile_overlayer_lowered:
.L_overlay_start_2:
0x46: {  	(tag) =	ssettag $0x2  }
0x47: {  	s0 =	rddreg [dreg:$0x0];
	s2 =	stileid.u32  }
0x48: {  	s1 =	rddreg [dreg:$0x1];
	p0 =	sne.s32 s2, $0x0  }
0x49: {  	s3 =	rddreg [dreg:$0x2];
	[bflag:$0x3] =	sbarrier.arrive $0xFFFF;
	s2 =	simm.s32 @!p0 $0x1C01  }
0x4a: {  	[timem:s3], [sflag:s2] =	dma.local @!p0 [hbm:s0], s1  }
0x4b: {  	s0 =	simm.s32 @!p0 $0x1  }
0x4c: {  	_ =	swait.ge @!p0 [sflag:s0], s1  }
0x4d: {  	s1 =	ssub.s32 @!p0 $0x0, s1;
	[sflag:s0] =	ssyncset.done @!p0 $0x0  }
0x4e: {  	[sflag:s0] =	ssyncadd.s32 @!p0 s1  }
0x4f: {  	[bflag:$0x3] =	sbarrier.arrive $0xFFFF  }
0x50: {  	_ =	shalt  }

</sc_bundles>
